<compile_context>
chip_gen: v7x
topology: tpu7x:2x2x1
jax: 0.10.2.dev20260603
libtpu: 0.0.44.dev20260713+nightly
codegen_flags: <defaults>
</compile_context>

<pallas_src>
import functools

import jax
import jax.numpy as jnp
from jax import lax
from jax.experimental import pallas as pl
from jax.experimental.pallas import tpu as pltpu
from jax.experimental.pallas import tpu_sc as plsc

VOCAB = 1000000
EMB = 64
HID = 256
B = 4096
L = 200

NC = 2
NS = 16
NW = NC * NS
ROWS_PER_W = B // NW
CH = 104
L_PAD = 2 * CH


def _sc_gather_sum(idx3, table):
    mesh = plsc.VectorSubcoreMesh(core_axis_name="c", subcore_axis_name="s")

    @functools.partial(
        pl.kernel,
        mesh=mesh,
        out_type=jax.ShapeDtypeStruct((B, EMB), jnp.float32),
        compiler_params=pltpu.CompilerParams(use_tc_tiling_on_sc=False),
        scratch_types=[
            pltpu.VMEM((ROWS_PER_W, 2, CH), jnp.int32),
            pltpu.VMEM((2, L_PAD, EMB), jnp.float32),
            pltpu.VMEM((ROWS_PER_W, EMB), jnp.float32),
            pltpu.SemaphoreType.DMA,
            pltpu.SemaphoreType.DMA,
        ],
    )
    def k(idx_hbm, table_hbm, out_hbm, idx_v, rows_v, out_v, sem0, sem1):
        wid = lax.axis_index("s") * NC + lax.axis_index("c")
        base = wid * ROWS_PER_W
        sems = (sem0, sem1)

        pltpu.sync_copy(idx_hbm.at[pl.ds(base, ROWS_PER_W)], idx_v)

        def issue(row, b):
            pltpu.async_copy(
                table_hbm.at[idx_v.at[row, 0]],
                rows_v.at[b, pl.ds(0, CH)],
                sems[b],
            )
            pltpu.async_copy(
                table_hbm.at[idx_v.at[row, 1]],
                rows_v.at[b, pl.ds(CH, CH)],
                sems[b],
            )

        def wait(b):
            pltpu.make_async_copy(
                table_hbm.at[pl.ds(0, L_PAD)], rows_v.at[b], sems[b]
            ).wait()

        def accum(row, b):
            zero = jnp.zeros((16,), jnp.float32)

            def body(j, accs):
                a0, a1, a2, a3 = accs
                a0 = a0 + rows_v[b, j, pl.ds(0, 16)]
                a1 = a1 + rows_v[b, j, pl.ds(16, 16)]
                a2 = a2 + rows_v[b, j, pl.ds(32, 16)]
                a3 = a3 + rows_v[b, j, pl.ds(48, 16)]
                return (a0, a1, a2, a3)

            a0, a1, a2, a3 = lax.fori_loop(
                0, L, body, (zero, zero, zero, zero), unroll=8
            )
            out_v[row, pl.ds(0, 16)] = a0
            out_v[row, pl.ds(16, 16)] = a1
            out_v[row, pl.ds(32, 16)] = a2
            out_v[row, pl.ds(48, 16)] = a3

        issue(0, 0)
        issue(1, 1)

        def outer(i, carry):
            for b in range(2):
                row = 2 * i + b
                wait(b)
                nxt = row + 2

                @pl.when(nxt < ROWS_PER_W)
                def _():
                    issue(nxt, b)

                accum(row, b)
            return carry

        lax.fori_loop(0, ROWS_PER_W // 2, outer, 0)

        pltpu.sync_copy(out_v, out_hbm.at[pl.ds(base, ROWS_PER_W)])

    return k(idx3, table)


def _mlp_body(x_ref, w1_ref, b1_ref, w2_ref, b2_ref, o_ref):
    x = x_ref[...] * jnp.float32(1.0 / L)
    h = jnp.dot(x, w1_ref[...], preferred_element_type=jnp.float32,
                precision=lax.Precision.HIGHEST)
    h = jnp.maximum(h + b1_ref[...], 0.0)
    z = jnp.dot(h, w2_ref[...], preferred_element_type=jnp.float32,
                precision=lax.Precision.HIGHEST)
    z = z + b2_ref[...]
    m = jnp.max(z, axis=1, keepdims=True)
    s = z - m
    lse = jnp.log(jnp.sum(jnp.exp(s), axis=1, keepdims=True))
    o_ref[...] = s - lse


def _mlp(sums, W1, b1, W2, b2):
    W2p = jnp.pad(W2, ((0, 0), (0, 128 - W2.shape[1])))
    b2p = jnp.pad(b2, (0, 128 - b2.shape[0]), constant_values=-1e30)
    grid = 4
    blk = B // grid
    out = pl.pallas_call(
        _mlp_body,
        grid=(grid,),
        in_specs=[
            pl.BlockSpec((blk, EMB), lambda i: (i, 0)),
            pl.BlockSpec((EMB, HID), lambda i: (0, 0)),
            pl.BlockSpec((1, HID), lambda i: (0, 0)),
            pl.BlockSpec((HID, 128), lambda i: (0, 0)),
            pl.BlockSpec((1, 128), lambda i: (0, 0)),
        ],
        out_specs=pl.BlockSpec((blk, 128), lambda i: (i, 0)),
        out_shape=jax.ShapeDtypeStruct((B, 128), jnp.float32),
    )(sums, W1, b1.reshape(1, HID), W2p, b2p.reshape(1, 128))
    return out[:, :2]


def kernel(input_idxs, table, W1, b1, W2, b2):
    idx3 = jnp.pad(input_idxs.astype(jnp.int32), ((0, 0), (0, L_PAD - L)))
    idx3 = idx3.reshape(B, 2, CH)
    sums = _sc_gather_sum(idx3, table)
    return _mlp(sums, W1, b1, W2, b2)

# --- scband reference (transcript-rebuilt; emitter-appended) ---
"""Pipeline reference for scband-deep-averaging-network-39041252720917 (READ-ONLY COPY).

The authoritative reference and input builder live on the scoring server;
editing this copy changes nothing except your own understanding.
"""

import jax, jax.numpy as jnp
import numpy as np

VOCAB = 1000000
EMB = 64
HID = 256
B = 4096
L = 200

def setup_inputs(seed: int = 0) -> dict:
    key = jax.random.key(seed)
    k0, k1, k2, k3 = jax.random.split(key, 4)
    input_idxs = jax.random.randint(k0, (B, L), 0, VOCAB)
    table = jax.random.normal(k1, (VOCAB, EMB), dtype=jnp.float32) * 0.02
    W1 = jax.random.normal(k2, (EMB, HID), dtype=jnp.float32) * (1.0 / np.sqrt(EMB))
    b1 = jnp.zeros((HID,), dtype=jnp.float32)
    W2 = jax.random.normal(k3, (HID, 2), dtype=jnp.float32) * (1.0 / np.sqrt(HID))
    b2 = jnp.zeros((2,), dtype=jnp.float32)
    return {"input_idxs": input_idxs, "table": table, "W1": W1, "b1": b1, "W2": W2, "b2": b2}

def reference(input_idxs, table, W1, b1, W2, b2):
    # embedding lookup: [B, L, EMB]
    embeddings = jnp.take(table, input_idxs, axis=0)
    # average over sequence dim
    avg_embedding = embeddings.mean(axis=1)
    # dropout is identity at p=0.0 / eval
    hidden = jax.nn.relu(avg_embedding @ W1 + b1)
    output = hidden @ W2 + b2
    return jax.nn.log_softmax(output, axis=1)

if __name__ == "__main__":
    import jax
    _d = setup_inputs()
    print(jax.jit(kernel)(*tuple(_d.values())))

</pallas_src>

<mosaic_0001>
#map = affine_map<(d0, d1) -> (0, 0, 0)>
#map1 = affine_map<(d0, d1) -> (0, 0)>
module attributes {stable_mosaic.version = 14 : i64} {
  func.func @k(%arg0: i32, %arg1: i32, %arg2: memref<4096x2x104xi32, #tpu.memory_space<hbm>>, %arg3: memref<1000000x64xf32, #tpu.memory_space<hbm>>, %arg4: memref<4096x64xf32, #tpu.memory_space<hbm>>, %arg5: memref<128x2x104xi32, #tpu.memory_space<vmem>>, %arg6: memref<2x208x64xf32, #tpu.memory_space<vmem>>, %arg7: memref<128x64xf32, #tpu.memory_space<vmem>>, %arg8: memref<!tpu.dma_semaphore, #tpu.memory_space<semaphore_mem>>, %arg9: memref<!tpu.dma_semaphore, #tpu.memory_space<semaphore_mem>>) attributes {dimension_semantics = [#tpu.dimension_semantics<core_parallel>, #tpu.dimension_semantics<subcore_parallel>], iteration_bounds = array<i64: 2, 16>, scalar_prefetch = 0 : i64, scratch_operands = 5 : i64, tpu.core_type = #tpu.core_type<sc_vector_subcore>, window_params = [{transform_indices = #map}, {transform_indices = #map1}, {transform_indices = #map1}]} {
    %mul3A = arith.constant 2 : i32
    %mul3A_0 = arith.muli %arg1, %mul3A : i32
    %add3A = arith.addi %mul3A_0, %arg0 : i32
    %mul3A_1 = arith.constant 128 : i32
    %mul3A_2 = arith.muli %add3A, %mul3A_1 : i32
    "tpu.region"() ({
      %run_scoped3A = tpu.sem_alloc : memref<!tpu.dma_semaphore, #tpu.memory_space<semaphore_mem>>
      %dma_start3A_59 = arith.constant 0 : i32
      %dma_start3A_60 = arith.constant 0 : i32
      %dma_start3A_61 = tpu.memref_slice %arg2[%mul3A_2, %dma_start3A_59, %dma_start3A_60] : memref<4096x2x104xi32, #tpu.memory_space<hbm>> -> memref<128x2x104xi32, #tpu.memory_space<hbm>>
      %dma_start3A_62 = arith.constant 0 : i32
      %dma_start3A_63 = arith.constant 0 : i32
      %dma_start3A_64 = tpu.memref_slice %arg2[%mul3A_2, %dma_start3A_62, %dma_start3A_63] : memref<4096x2x104xi32, #tpu.memory_space<hbm>> -> memref<128x2x104xi32, #tpu.memory_space<hbm>>
      tpu.enqueue_dma source(%dma_start3A_64 : memref<128x2x104xi32, #tpu.memory_space<hbm>>) target(%arg5 : memref<128x2x104xi32, #tpu.memory_space<vmem>>) target_semaphore(%run_scoped3A : memref<!tpu.dma_semaphore, #tpu.memory_space<semaphore_mem>>)
      %dma_wait3A = arith.constant 0 : i32
      %dma_wait3A_65 = arith.constant 0 : i32
      %dma_wait3A_66 = tpu.memref_slice %arg2[%mul3A_2, %dma_wait3A, %dma_wait3A_65] : memref<4096x2x104xi32, #tpu.memory_space<hbm>> -> memref<128x2x104xi32, #tpu.memory_space<hbm>>
      %dma_wait3A_67 = arith.constant 0 : i32
      %dma_wait3A_68 = arith.constant 0 : i32
      %dma_wait3A_69 = tpu.memref_slice %arg2[%mul3A_2, %dma_wait3A_67, %dma_wait3A_68] : memref<4096x2x104xi32, #tpu.memory_space<hbm>> -> memref<128x2x104xi32, #tpu.memory_space<hbm>>
      tpu.wait_dma2 semaphore(%run_scoped3A : memref<!tpu.dma_semaphore, #tpu.memory_space<semaphore_mem>>) src(%dma_wait3A_69 : memref<128x2x104xi32, #tpu.memory_space<hbm>>) dst(%arg5 : memref<128x2x104xi32, #tpu.memory_space<vmem>>)
      tpu.yield
    }) : () -> ()
    %dma_start3A = arith.constant 0 : i32
    %dma_start3A_3 = arith.constant 0 : i32
    %dma_start3A_4 = arith.constant 0 : i32
    %dma_start3A_5 = arith.constant 0 : i32
    %dma_start3A_6 = arith.constant 0 : i32
    %dma_start3A_7 = tpu.memref_slice %arg6[%dma_start3A_4, %dma_start3A_5, %dma_start3A_6] : memref<2x208x64xf32, #tpu.memory_space<vmem>> -> memref<1x104x64xf32, #tpu.memory_space<vmem>>
    %dma_start3A_8 = tpu.memref_squeeze %dma_start3A_7 : memref<1x104x64xf32, #tpu.memory_space<vmem>> -> memref<104x64xf32, #tpu.memory_space<vmem>>
    %dma_start3A_9 = arith.constant 0 : i32
    %dma_start3A_10 = tpu.memref_slice %arg5[%dma_start3A, %dma_start3A_3, %dma_start3A_9] : memref<128x2x104xi32, #tpu.memory_space<vmem>> -> memref<1x1x104xi32, #tpu.memory_space<vmem>>
    %dma_start3A_11 = tpu.memref_squeeze %dma_start3A_10 : memref<1x1x104xi32, #tpu.memory_space<vmem>> -> memref<104xi32, #tpu.memory_space<vmem>>
    %dma_start3A_12 = arith.constant 0 : i32
    %dma_start3A_13 = arith.constant 0 : i32
    %dma_start3A_14 = tpu.memref_slice %arg3[%dma_start3A_12, %dma_start3A_13] : memref<1000000x64xf32, #tpu.memory_space<hbm>> -> memref<1000000x64xf32, #tpu.memory_space<hbm>>
    tpu.enqueue_indirect_dma source(%dma_start3A_14 : memref<1000000x64xf32, #tpu.memory_space<hbm>>) target(%dma_start3A_8 : memref<104x64xf32, #tpu.memory_space<vmem>>) offsets(%dma_start3A_11 : memref<104xi32, #tpu.memory_space<vmem>>) semaphore(%arg8 : memref<!tpu.dma_semaphore, #tpu.memory_space<semaphore_mem>>)
    %dma_start3A_15 = arith.constant 0 : i32
    %dma_start3A_16 = arith.constant 1 : i32
    %dma_start3A_17 = arith.constant 0 : i32
    %dma_start3A_18 = arith.constant 104 : i32
    %dma_start3A_19 = arith.constant 0 : i32
    %dma_start3A_20 = tpu.memref_slice %arg6[%dma_start3A_17, %dma_start3A_18, %dma_start3A_19] : memref<2x208x64xf32, #tpu.memory_space<vmem>> -> memref<1x104x64xf32, #tpu.memory_space<vmem>>
    %dma_start3A_21 = tpu.memref_squeeze %dma_start3A_20 : memref<1x104x64xf32, #tpu.memory_space<vmem>> -> memref<104x64xf32, #tpu.memory_space<vmem>>
    %dma_start3A_22 = arith.constant 0 : i32
    %dma_start3A_23 = tpu.memref_slice %arg5[%dma_start3A_15, %dma_start3A_16, %dma_start3A_22] : memref<128x2x104xi32, #tpu.memory_space<vmem>> -> memref<1x1x104xi32, #tpu.memory_space<vmem>>
    %dma_start3A_24 = tpu.memref_squeeze %dma_start3A_23 : memref<1x1x104xi32, #tpu.memory_space<vmem>> -> memref<104xi32, #tpu.memory_space<vmem>>
    %dma_start3A_25 = arith.constant 0 : i32
    %dma_start3A_26 = arith.constant 0 : i32
    %dma_start3A_27 = tpu.memref_slice %arg3[%dma_start3A_25, %dma_start3A_26] : memref<1000000x64xf32, #tpu.memory_space<hbm>> -> memref<1000000x64xf32, #tpu.memory_space<hbm>>
    tpu.enqueue_indirect_dma source(%dma_start3A_27 : memref<1000000x64xf32, #tpu.memory_space<hbm>>) target(%dma_start3A_21 : memref<104x64xf32, #tpu.memory_space<vmem>>) offsets(%dma_start3A_24 : memref<104xi32, #tpu.memory_space<vmem>>) semaphore(%arg8 : memref<!tpu.dma_semaphore, #tpu.memory_space<semaphore_mem>>)
    %dma_start3A_28 = arith.constant 1 : i32
    %dma_start3A_29 = arith.constant 0 : i32
    %dma_start3A_30 = arith.constant 1 : i32
    %dma_start3A_31 = arith.constant 0 : i32
    %dma_start3A_32 = arith.constant 0 : i32
    %dma_start3A_33 = tpu.memref_slice %arg6[%dma_start3A_30, %dma_start3A_31, %dma_start3A_32] : memref<2x208x64xf32, #tpu.memory_space<vmem>> -> memref<1x104x64xf32, #tpu.memory_space<vmem>>
    %dma_start3A_34 = tpu.memref_squeeze %dma_start3A_33 : memref<1x104x64xf32, #tpu.memory_space<vmem>> -> memref<104x64xf32, #tpu.memory_space<vmem>>
    %dma_start3A_35 = arith.constant 0 : i32
    %dma_start3A_36 = tpu.memref_slice %arg5[%dma_start3A_28, %dma_start3A_29, %dma_start3A_35] : memref<128x2x104xi32, #tpu.memory_space<vmem>> -> memref<1x1x104xi32, #tpu.memory_space<vmem>>
    %dma_start3A_37 = tpu.memref_squeeze %dma_start3A_36 : memref<1x1x104xi32, #tpu.memory_space<vmem>> -> memref<104xi32, #tpu.memory_space<vmem>>
    %dma_start3A_38 = arith.constant 0 : i32
    %dma_start3A_39 = arith.constant 0 : i32
    %dma_start3A_40 = tpu.memref_slice %arg3[%dma_start3A_38, %dma_start3A_39] : memref<1000000x64xf32, #tpu.memory_space<hbm>> -> memref<1000000x64xf32, #tpu.memory_space<hbm>>
    tpu.enqueue_indirect_dma source(%dma_start3A_40 : memref<1000000x64xf32, #tpu.memory_space<hbm>>) target(%dma_start3A_34 : memref<104x64xf32, #tpu.memory_space<vmem>>) offsets(%dma_start3A_37 : memref<104xi32, #tpu.memory_space<vmem>>) semaphore(%arg9 : memref<!tpu.dma_semaphore, #tpu.memory_space<semaphore_mem>>)
    %dma_start3A_41 = arith.constant 1 : i32
    %dma_start3A_42 = arith.constant 1 : i32
    %dma_start3A_43 = arith.constant 1 : i32
    %dma_start3A_44 = arith.constant 104 : i32
    %dma_start3A_45 = arith.constant 0 : i32
    %dma_start3A_46 = tpu.memref_slice %arg6[%dma_start3A_43, %dma_start3A_44, %dma_start3A_45] : memref<2x208x64xf32, #tpu.memory_space<vmem>> -> memref<1x104x64xf32, #tpu.memory_space<vmem>>
    %dma_start3A_47 = tpu.memref_squeeze %dma_start3A_46 : memref<1x104x64xf32, #tpu.memory_space<vmem>> -> memref<104x64xf32, #tpu.memory_space<vmem>>
    %dma_start3A_48 = arith.constant 0 : i32
    %dma_start3A_49 = tpu.memref_slice %arg5[%dma_start3A_41, %dma_start3A_42, %dma_start3A_48] : memref<128x2x104xi32, #tpu.memory_space<vmem>> -> memref<1x1x104xi32, #tpu.memory_space<vmem>>
    %dma_start3A_50 = tpu.memref_squeeze %dma_start3A_49 : memref<1x1x104xi32, #tpu.memory_space<vmem>> -> memref<104xi32, #tpu.memory_space<vmem>>
    %dma_start3A_51 = arith.constant 0 : i32
    %dma_start3A_52 = arith.constant 0 : i32
    %dma_start3A_53 = tpu.memref_slice %arg3[%dma_start3A_51, %dma_start3A_52] : memref<1000000x64xf32, #tpu.memory_space<hbm>> -> memref<1000000x64xf32, #tpu.memory_space<hbm>>
    tpu.enqueue_indirect_dma source(%dma_start3A_53 : memref<1000000x64xf32, #tpu.memory_space<hbm>>) target(%dma_start3A_47 : memref<104x64xf32, #tpu.memory_space<vmem>>) offsets(%dma_start3A_50 : memref<104xi32, #tpu.memory_space<vmem>>) semaphore(%arg9 : memref<!tpu.dma_semaphore, #tpu.memory_space<semaphore_mem>>)
    %scan3A = arith.constant 0 : i32
    %scan3A_54 = arith.constant 0 : i32
    %scan3A_55 = arith.constant 64 : i32
    %scan3A_56 = arith.addi %scan3A_54, %scan3A_55 : i32
    %scan3A_57 = arith.constant 1 : i32
    scf.for %scan3A_59 = %scan3A_54 to %scan3A_56 step %scan3A_57  : i32 {
      %mul3A_60 = arith.constant 2 : i32
      %mul3A_61 = arith.muli %mul3A_60, %scan3A_59 : i32
      %add3A_62 = arith.constant 0 : i32
      %add3A_63 = arith.addi %mul3A_61, %add3A_62 : i32
      %dma_wait3A = arith.constant 0 : i32
      %dma_wait3A_64 = arith.constant 0 : i32
      %dma_wait3A_65 = arith.constant 0 : i32
      %dma_wait3A_66 = tpu.memref_slice %arg6[%dma_wait3A, %dma_wait3A_64, %dma_wait3A_65] : memref<2x208x64xf32, #tpu.memory_space<vmem>> -> memref<1x208x64xf32, #tpu.memory_space<vmem>>
      %dma_wait3A_67 = tpu.memref_squeeze %dma_wait3A_66 : memref<1x208x64xf32, #tpu.memory_space<vmem>> -> memref<208x64xf32, #tpu.memory_space<vmem>>
      %dma_wait3A_68 = arith.constant 0 : i32
      %dma_wait3A_69 = arith.constant 0 : i32
      %dma_wait3A_70 = tpu.memref_slice %arg3[%dma_wait3A_68, %dma_wait3A_69] : memref<1000000x64xf32, #tpu.memory_space<hbm>> -> memref<208x64xf32, #tpu.memory_space<hbm>>
      %dma_wait3A_71 = arith.constant 0 : i32
      %dma_wait3A_72 = arith.constant 0 : i32
      %dma_wait3A_73 = tpu.memref_slice %arg6[%dma_wait3A, %dma_wait3A_71, %dma_wait3A_72] : memref<2x208x64xf32, #tpu.memory_space<vmem>> -> memref<1x208x64xf32, #tpu.memory_space<vmem>>
      %dma_wait3A_74 = tpu.memref_squeeze %dma_wait3A_73 : memref<1x208x64xf32, #tpu.memory_space<vmem>> -> memref<208x64xf32, #tpu.memory_space<vmem>>
      %dma_wait3A_75 = arith.constant 0 : i32
      %dma_wait3A_76 = arith.constant 0 : i32
      %dma_wait3A_77 = tpu.memref_slice %arg3[%dma_wait3A_75, %dma_wait3A_76] : memref<1000000x64xf32, #tpu.memory_space<hbm>> -> memref<208x64xf32, #tpu.memory_space<hbm>>
      tpu.wait_dma2 semaphore(%arg8 : memref<!tpu.dma_semaphore, #tpu.memory_space<semaphore_mem>>) src(%dma_wait3A_77 : memref<208x64xf32, #tpu.memory_space<hbm>>) dst(%dma_wait3A_74 : memref<208x64xf32, #tpu.memory_space<vmem>>)
      %add3A_78 = arith.constant 2 : i32
      %add3A_79 = arith.addi %add3A_63, %add3A_78 : i32
      %lt3A = arith.constant 128 : i32
      %lt3A_80 = arith.cmpi slt, %add3A_79, %lt3A : i32
      %convert_element_type3A = arith.extui %lt3A_80 : i1 to i32
      %cond3A = arith.constant 0 : i32
      %cond3A_81 = arith.cmpi ne, %convert_element_type3A, %cond3A : i32
      scf.if %cond3A_81 {
        %dma_start3A_162 = arith.constant 0 : i32
        %dma_start3A_163 = arith.constant 0 : i32
        %dma_start3A_164 = arith.constant 0 : i32
        %dma_start3A_165 = arith.constant 0 : i32
        %dma_start3A_166 = tpu.memref_slice %arg6[%dma_start3A_163, %dma_start3A_164, %dma_start3A_165] : memref<2x208x64xf32, #tpu.memory_space<vmem>> -> memref<1x104x64xf32, #tpu.memory_space<vmem>>
        %dma_start3A_167 = tpu.memref_squeeze %dma_start3A_166 : memref<1x104x64xf32, #tpu.memory_space<vmem>> -> memref<104x64xf32, #tpu.memory_space<vmem>>
        %dma_start3A_168 = arith.constant 0 : i32
        %dma_start3A_169 = tpu.memref_slice %arg5[%add3A_79, %dma_start3A_162, %dma_start3A_168] : memref<128x2x104xi32, #tpu.memory_space<vmem>> -> memref<1x1x104xi32, #tpu.memory_space<vmem>>
        %dma_start3A_170 = tpu.memref_squeeze %dma_start3A_169 : memref<1x1x104xi32, #tpu.memory_space<vmem>> -> memref<104xi32, #tpu.memory_space<vmem>>
        %dma_start3A_171 = arith.constant 0 : i32
        %dma_start3A_172 = arith.constant 0 : i32
        %dma_start3A_173 = tpu.memref_slice %arg3[%dma_start3A_171, %dma_start3A_172] : memref<1000000x64xf32, #tpu.memory_space<hbm>> -> memref<1000000x64xf32, #tpu.memory_space<hbm>>
        tpu.enqueue_indirect_dma source(%dma_start3A_173 : memref<1000000x64xf32, #tpu.memory_space<hbm>>) target(%dma_start3A_167 : memref<104x64xf32, #tpu.memory_space<vmem>>) offsets(%dma_start3A_170 : memref<104xi32, #tpu.memory_space<vmem>>) semaphore(%arg8 : memref<!tpu.dma_semaphore, #tpu.memory_space<semaphore_mem>>)
        %dma_start3A_174 = arith.constant 1 : i32
        %dma_start3A_175 = arith.constant 0 : i32
        %dma_start3A_176 = arith.constant 104 : i32
        %dma_start3A_177 = arith.constant 0 : i32
        %dma_start3A_178 = tpu.memref_slice %arg6[%dma_start3A_175, %dma_start3A_176, %dma_start3A_177] : memref<2x208x64xf32, #tpu.memory_space<vmem>> -> memref<1x104x64xf32, #tpu.memory_space<vmem>>
        %dma_start3A_179 = tpu.memref_squeeze %dma_start3A_178 : memref<1x104x64xf32, #tpu.memory_space<vmem>> -> memref<104x64xf32, #tpu.memory_space<vmem>>
        %dma_start3A_180 = arith.constant 0 : i32
        %dma_start3A_181 = tpu.memref_slice %arg5[%add3A_79, %dma_start3A_174, %dma_start3A_180] : memref<128x2x104xi32, #tpu.memory_space<vmem>> -> memref<1x1x104xi32, #tpu.memory_space<vmem>>
        %dma_start3A_182 = tpu.memref_squeeze %dma_start3A_181 : memref<1x1x104xi32, #tpu.memory_space<vmem>> -> memref<104xi32, #tpu.memory_space<vmem>>
        %dma_start3A_183 = arith.constant 0 : i32
        %dma_start3A_184 = arith.constant 0 : i32
        %dma_start3A_185 = tpu.memref_slice %arg3[%dma_start3A_183, %dma_start3A_184] : memref<1000000x64xf32, #tpu.memory_space<hbm>> -> memref<1000000x64xf32, #tpu.memory_space<hbm>>
        tpu.enqueue_indirect_dma source(%dma_start3A_185 : memref<1000000x64xf32, #tpu.memory_space<hbm>>) target(%dma_start3A_179 : memref<104x64xf32, #tpu.memory_space<vmem>>) offsets(%dma_start3A_182 : memref<104xi32, #tpu.memory_space<vmem>>) semaphore(%arg8 : memref<!tpu.dma_semaphore, #tpu.memory_space<semaphore_mem>>)
      } else {
      }
      %broadcast_in_dim3A = arith.constant 0.000000e+00 : f32
      %broadcast_in_dim3A_82 = vector.broadcast %broadcast_in_dim3A : f32 to vector<16xf32>
      %scan3A_83 = arith.constant 0 : i32
      %scan3A_84 = arith.constant 200 : i32
      %scan3A_85 = arith.addi %scan3A_83, %scan3A_84 : i32
      %scan3A_86 = arith.constant 8 : i32
      %scan3A_87:4 = scf.for %scan3A_162 = %scan3A_83 to %scan3A_85 step %scan3A_86 iter_args(%scan3A_163 = %broadcast_in_dim3A_82, %scan3A_164 = %broadcast_in_dim3A_82, %scan3A_165 = %broadcast_in_dim3A_82, %scan3A_166 = %broadcast_in_dim3A_82) -> (vector<16xf32>, vector<16xf32>, vector<16xf32>, vector<16xf32>)  : i32 {
        %get3A = arith.constant 0 : i32
        %get3A_167 = arith.index_cast %get3A : i32 to index
        %get3A_168 = arith.index_cast %scan3A_162 : i32 to index
        %get3A_169 = arith.constant 0 : index
        %get3A_170 = tpu.vector_load %arg6[%get3A_167, %get3A_168, %get3A_169] {strides = array<i32>} : memref<2x208x64xf32, #tpu.memory_space<vmem>>, vector<1x1x16xf32>,
        %get3A_171 = vector.shape_cast %get3A_170 : vector<1x1x16xf32> to vector<16xf32>
        %add3A_172 = arith.addf %scan3A_163, %get3A_171 : vector<16xf32>
        %get3A_173 = arith.constant 0 : i32
        %get3A_174 = arith.index_cast %get3A_173 : i32 to index
        %get3A_175 = arith.index_cast %scan3A_162 : i32 to index
        %get3A_176 = arith.constant 16 : index
        %get3A_177 = tpu.vector_load %arg6[%get3A_174, %get3A_175, %get3A_176] {strides = array<i32>} : memref<2x208x64xf32, #tpu.memory_space<vmem>>, vector<1x1x16xf32>,
        %get3A_178 = vector.shape_cast %get3A_177 : vector<1x1x16xf32> to vector<16xf32>
        %add3A_179 = arith.addf %scan3A_164, %get3A_178 : vector<16xf32>
        %get3A_180 = arith.constant 0 : i32
        %get3A_181 = arith.index_cast %get3A_180 : i32 to index
        %get3A_182 = arith.index_cast %scan3A_162 : i32 to index
        %get3A_183 = arith.constant 32 : index
        %get3A_184 = tpu.vector_load %arg6[%get3A_181, %get3A_182, %get3A_183] {strides = array<i32>} : memref<2x208x64xf32, #tpu.memory_space<vmem>>, vector<1x1x16xf32>,
        %get3A_185 = vector.shape_cast %get3A_184 : vector<1x1x16xf32> to vector<16xf32>
        %add3A_186 = arith.addf %scan3A_165, %get3A_185 : vector<16xf32>
        %get3A_187 = arith.constant 0 : i32
        %get3A_188 = arith.index_cast %get3A_187 : i32 to index
        %get3A_189 = arith.index_cast %scan3A_162 : i32 to index
        %get3A_190 = arith.constant 48 : index
        %get3A_191 = tpu.vector_load %arg6[%get3A_188, %get3A_189, %get3A_190] {strides = array<i32>} : memref<2x208x64xf32, #tpu.memory_space<vmem>>, vector<1x1x16xf32>,
        %get3A_192 = vector.shape_cast %get3A_191 : vector<1x1x16xf32> to vector<16xf32>
        %add3A_193 = arith.addf %scan3A_166, %get3A_192 : vector<16xf32>
        %scan3A_194 = arith.constant 1 : i32
        %scan3A_195 = arith.addi %scan3A_162, %scan3A_194 : i32
        %get3A_196 = arith.constant 0 : i32
        %get3A_197 = arith.index_cast %get3A_196 : i32 to index
        %get3A_198 = arith.index_cast %scan3A_195 : i32 to index
        %get3A_199 = arith.constant 0 : index
        %get3A_200 = tpu.vector_load %arg6[%get3A_197, %get3A_198, %get3A_199] {strides = array<i32>} : memref<2x208x64xf32, #tpu.memory_space<vmem>>, vector<1x1x16xf32>,
        %get3A_201 = vector.shape_cast %get3A_200 : vector<1x1x16xf32> to vector<16xf32>
        %add3A_202 = arith.addf %add3A_172, %get3A_201 : vector<16xf32>
        %get3A_203 = arith.constant 0 : i32
        %get3A_204 = arith.index_cast %get3A_203 : i32 to index
        %get3A_205 = arith.index_cast %scan3A_195 : i32 to index
        %get3A_206 = arith.constant 16 : index
        %get3A_207 = tpu.vector_load %arg6[%get3A_204, %get3A_205, %get3A_206] {strides = array<i32>} : memref<2x208x64xf32, #tpu.memory_space<vmem>>, vector<1x1x16xf32>,
        %get3A_208 = vector.shape_cast %get3A_207 : vector<1x1x16xf32> to vector<16xf32>
        %add3A_209 = arith.addf %add3A_179, %get3A_208 : vector<16xf32>
        %get3A_210 = arith.constant 0 : i32
        %get3A_211 = arith.index_cast %get3A_210 : i32 to index
        %get3A_212 = arith.index_cast %scan3A_195 : i32 to index
        %get3A_213 = arith.constant 32 : index
        %get3A_214 = tpu.vector_load %arg6[%get3A_211, %get3A_212, %get3A_213] {strides = array<i32>} : memref<2x208x64xf32, #tpu.memory_space<vmem>>, vector<1x1x16xf32>,
        %get3A_215 = vector.shape_cast %get3A_214 : vector<1x1x16xf32> to vector<16xf32>
        %add3A_216 = arith.addf %add3A_186, %get3A_215 : vector<16xf32>
        %get3A_217 = arith.constant 0 : i32
        %get3A_218 = arith.index_cast %get3A_217 : i32 to index
        %get3A_219 = arith.index_cast %scan3A_195 : i32 to index
        %get3A_220 = arith.constant 48 : index
        %get3A_221 = tpu.vector_load %arg6[%get3A_218, %get3A_219, %get3A_220] {strides = array<i32>} : memref<2x208x64xf32, #tpu.memory_space<vmem>>, vector<1x1x16xf32>,
        %get3A_222 = vector.shape_cast %get3A_221 : vector<1x1x16xf32> to vector<16xf32>
        %add3A_223 = arith.addf %add3A_193, %get3A_222 : vector<16xf32>
        %scan3A_224 = arith.constant 2 : i32
        %scan3A_225 = arith.addi %scan3A_162, %scan3A_224 : i32
        %get3A_226 = arith.constant 0 : i32
        %get3A_227 = arith.index_cast %get3A_226 : i32 to index
        %get3A_228 = arith.index_cast %scan3A_225 : i32 to index
        %get3A_229 = arith.constant 0 : index
        %get3A_230 = tpu.vector_load %arg6[%get3A_227, %get3A_228, %get3A_229] {strides = array<i32>} : memref<2x208x64xf32, #tpu.memory_space<vmem>>, vector<1x1x16xf32>,
        %get3A_231 = vector.shape_cast %get3A_230 : vector<1x1x16xf32> to vector<16xf32>
        %add3A_232 = arith.addf %add3A_202, %get3A_231 : vector<16xf32>
        %get3A_233 = arith.constant 0 : i32
        %get3A_234 = arith.index_cast %get3A_233 : i32 to index
        %get3A_235 = arith.index_cast %scan3A_225 : i32 to index
        %get3A_236 = arith.constant 16 : index
        %get3A_237 = tpu.vector_load %arg6[%get3A_234, %get3A_235, %get3A_236] {strides = array<i32>} : memref<2x208x64xf32, #tpu.memory_space<vmem>>, vector<1x1x16xf32>,
        %get3A_238 = vector.shape_cast %get3A_237 : vector<1x1x16xf32> to vector<16xf32>
        %add3A_239 = arith.addf %add3A_209, %get3A_238 : vector<16xf32>
        %get3A_240 = arith.constant 0 : i32
        %get3A_241 = arith.index_cast %get3A_240 : i32 to index
        %get3A_242 = arith.index_cast %scan3A_225 : i32 to index
        %get3A_243 = arith.constant 32 : index
        %get3A_244 = tpu.vector_load %arg6[%get3A_241, %get3A_242, %get3A_243] {strides = array<i32>} : memref<2x208x64xf32, #tpu.memory_space<vmem>>, vector<1x1x16xf32>,
        %get3A_245 = vector.shape_cast %get3A_244 : vector<1x1x16xf32> to vector<16xf32>
        %add3A_246 = arith.addf %add3A_216, %get3A_245 : vector<16xf32>
        %get3A_247 = arith.constant 0 : i32
        %get3A_248 = arith.index_cast %get3A_247 : i32 to index
        %get3A_249 = arith.index_cast %scan3A_225 : i32 to index
        %get3A_250 = arith.constant 48 : index
        %get3A_251 = tpu.vector_load %arg6[%get3A_248, %get3A_249, %get3A_250] {strides = array<i32>} : memref<2x208x64xf32, #tpu.memory_space<vmem>>, vector<1x1x16xf32>,
        %get3A_252 = vector.shape_cast %get3A_251 : vector<1x1x16xf32> to vector<16xf32>
        %add3A_253 = arith.addf %add3A_223, %get3A_252 : vector<16xf32>
        %scan3A_254 = arith.constant 3 : i32
        %scan3A_255 = arith.addi %scan3A_162, %scan3A_254 : i32
        %get3A_256 = arith.constant 0 : i32
        %get3A_257 = arith.index_cast %get3A_256 : i32 to index
        %get3A_258 = arith.index_cast %scan3A_255 : i32 to index
        %get3A_259 = arith.constant 0 : index
        %get3A_260 = tpu.vector_load %arg6[%get3A_257, %get3A_258, %get3A_259] {strides = array<i32>} : memref<2x208x64xf32, #tpu.memory_space<vmem>>, vector<1x1x16xf32>,
        %get3A_261 = vector.shape_cast %get3A_260 : vector<1x1x16xf32> to vector<16xf32>
        %add3A_262 = arith.addf %add3A_232, %get3A_261 : vector<16xf32>
        %get3A_263 = arith.constant 0 : i32
        %get3A_264 = arith.index_cast %get3A_263 : i32 to index
        %get3A_265 = arith.index_cast %scan3A_255 : i32 to index
        %get3A_266 = arith.constant 16 : index
        %get3A_267 = tpu.vector_load %arg6[%get3A_264, %get3A_265, %get3A_266] {strides = array<i32>} : memref<2x208x64xf32, #tpu.memory_space<vmem>>, vector<1x1x16xf32>,
        %get3A_268 = vector.shape_cast %get3A_267 : vector<1x1x16xf32> to vector<16xf32>
        %add3A_269 = arith.addf %add3A_239, %get3A_268 : vector<16xf32>
        %get3A_270 = arith.constant 0 : i32
        %get3A_271 = arith.index_cast %get3A_270 : i32 to index
        %get3A_272 = arith.index_cast %scan3A_255 : i32 to index
        %get3A_273 = arith.constant 32 : index
        %get3A_274 = tpu.vector_load %arg6[%get3A_271, %get3A_272, %get3A_273] {strides = array<i32>} : memref<2x208x64xf32, #tpu.memory_space<vmem>>, vector<1x1x16xf32>,
        %get3A_275 = vector.shape_cast %get3A_274 : vector<1x1x16xf32> to vector<16xf32>
        %add3A_276 = arith.addf %add3A_246, %get3A_275 : vector<16xf32>
        %get3A_277 = arith.constant 0 : i32
        %get3A_278 = arith.index_cast %get3A_277 : i32 to index
        %get3A_279 = arith.index_cast %scan3A_255 : i32 to index
        %get3A_280 = arith.constant 48 : index
        %get3A_281 = tpu.vector_load %arg6[%get3A_278, %get3A_279, %get3A_280] {strides = array<i32>} : memref<2x208x64xf32, #tpu.memory_space<vmem>>, vector<1x1x16xf32>,
        %get3A_282 = vector.shape_cast %get3A_281 : vector<1x1x16xf32> to vector<16xf32>
        %add3A_283 = arith.addf %add3A_253, %get3A_282 : vector<16xf32>
        %scan3A_284 = arith.constant 4 : i32
        %scan3A_285 = arith.addi %scan3A_162, %scan3A_284 : i32
        %get3A_286 = arith.constant 0 : i32
        %get3A_287 = arith.index_cast %get3A_286 : i32 to index
        %get3A_288 = arith.index_cast %scan3A_285 : i32 to index
        %get3A_289 = arith.constant 0 : index
        %get3A_290 = tpu.vector_load %arg6[%get3A_287, %get3A_288, %get3A_289] {strides = array<i32>} : memref<2x208x64xf32, #tpu.memory_space<vmem>>, vector<1x1x16xf32>,
        %get3A_291 = vector.shape_cast %get3A_290 : vector<1x1x16xf32> to vector<16xf32>
        %add3A_292 = arith.addf %add3A_262, %get3A_291 : vector<16xf32>
        %get3A_293 = arith.constant 0 : i32
        %get3A_294 = arith.index_cast %get3A_293 : i32 to index
        %get3A_295 = arith.index_cast %scan3A_285 : i32 to index
        %get3A_296 = arith.constant 16 : index
        %get3A_297 = tpu.vector_load %arg6[%get3A_294, %get3A_295, %get3A_296] {strides = array<i32>} : memref<2x208x64xf32, #tpu.memory_space<vmem>>, vector<1x1x16xf32>,
        %get3A_298 = vector.shape_cast %get3A_297 : vector<1x1x16xf32> to vector<16xf32>
        %add3A_299 = arith.addf %add3A_269, %get3A_298 : vector<16xf32>
        %get3A_300 = arith.constant 0 : i32
        %get3A_301 = arith.index_cast %get3A_300 : i32 to index
        %get3A_302 = arith.index_cast %scan3A_285 : i32 to index
        %get3A_303 = arith.constant 32 : index
        %get3A_304 = tpu.vector_load %arg6[%get3A_301, %get3A_302, %get3A_303] {strides = array<i32>} : memref<2x208x64xf32, #tpu.memory_space<vmem>>, vector<1x1x16xf32>,
        %get3A_305 = vector.shape_cast %get3A_304 : vector<1x1x16xf32> to vector<16xf32>
        %add3A_306 = arith.addf %add3A_276, %get3A_305 : vector<16xf32>
        %get3A_307 = arith.constant 0 : i32
        %get3A_308 = arith.index_cast %get3A_307 : i32 to index
        %get3A_309 = arith.index_cast %scan3A_285 : i32 to index
        %get3A_310 = arith.constant 48 : index
        %get3A_311 = tpu.vector_load %arg6[%get3A_308, %get3A_309, %get3A_310] {strides = array<i32>} : memref<2x208x64xf32, #tpu.memory_space<vmem>>, vector<1x1x16xf32>,
        %get3A_312 = vector.shape_cast %get3A_311 : vector<1x1x16xf32> to vector<16xf32>
        %add3A_313 = arith.addf %add3A_283, %get3A_312 : vector<16xf32>
        %scan3A_314 = arith.constant 5 : i32
        %scan3A_315 = arith.addi %scan3A_162, %scan3A_314 : i32
        %get3A_316 = arith.constant 0 : i32
        %get3A_317 = arith.index_cast %get3A_316 : i32 to index
        %get3A_318 = arith.index_cast %scan3A_315 : i32 to index
        %get3A_319 = arith.constant 0 : index
        %get3A_320 = tpu.vector_load %arg6[%get3A_317, %get3A_318, %get3A_319] {strides = array<i32>} : memref<2x208x64xf32, #tpu.memory_space<vmem>>, vector<1x1x16xf32>,
        %get3A_321 = vector.shape_cast %get3A_320 : vector<1x1x16xf32> to vector<16xf32>
        %add3A_322 = arith.addf %add3A_292, %get3A_321 : vector<16xf32>
        %get3A_323 = arith.constant 0 : i32
        %get3A_324 = arith.index_cast %get3A_323 : i32 to index
        %get3A_325 = arith.index_cast %scan3A_315 : i32 to index
        %get3A_326 = arith.constant 16 : index
        %get3A_327 = tpu.vector_load %arg6[%get3A_324, %get3A_325, %get3A_326] {strides = array<i32>} : memref<2x208x64xf32, #tpu.memory_space<vmem>>, vector<1x1x16xf32>,
        %get3A_328 = vector.shape_cast %get3A_327 : vector<1x1x16xf32> to vector<16xf32>
        %add3A_329 = arith.addf %add3A_299, %get3A_328 : vector<16xf32>
        %get3A_330 = arith.constant 0 : i32
        %get3A_331 = arith.index_cast %get3A_330 : i32 to index
        %get3A_332 = arith.index_cast %scan3A_315 : i32 to index
        %get3A_333 = arith.constant 32 : index
        %get3A_334 = tpu.vector_load %arg6[%get3A_331, %get3A_332, %get3A_333] {strides = array<i32>} : memref<2x208x64xf32, #tpu.memory_space<vmem>>, vector<1x1x16xf32>,
        %get3A_335 = vector.shape_cast %get3A_334 : vector<1x1x16xf32> to vector<16xf32>
        %add3A_336 = arith.addf %add3A_306, %get3A_335 : vector<16xf32>
        %get3A_337 = arith.constant 0 : i32
        %get3A_338 = arith.index_cast %get3A_337 : i32 to index
        %get3A_339 = arith.index_cast %scan3A_315 : i32 to index
        %get3A_340 = arith.constant 48 : index
        %get3A_341 = tpu.vector_load %arg6[%get3A_338, %get3A_339, %get3A_340] {strides = array<i32>} : memref<2x208x64xf32, #tpu.memory_space<vmem>>, vector<1x1x16xf32>,
        %get3A_342 = vector.shape_cast %get3A_341 : vector<1x1x16xf32> to vector<16xf32>
        %add3A_343 = arith.addf %add3A_313, %get3A_342 : vector<16xf32>
        %scan3A_344 = arith.constant 6 : i32
        %scan3A_345 = arith.addi %scan3A_162, %scan3A_344 : i32
        %get3A_346 = arith.constant 0 : i32
        %get3A_347 = arith.index_cast %get3A_346 : i32 to index
        %get3A_348 = arith.index_cast %scan3A_345 : i32 to index
        %get3A_349 = arith.constant 0 : index
        %get3A_350 = tpu.vector_load %arg6[%get3A_347, %get3A_348, %get3A_349] {strides = array<i32>} : memref<2x208x64xf32, #tpu.memory_space<vmem>>, vector<1x1x16xf32>,
        %get3A_351 = vector.shape_cast %get3A_350 : vector<1x1x16xf32> to vector<16xf32>
        %add3A_352 = arith.addf %add3A_322, %get3A_351 : vector<16xf32>
        %get3A_353 = arith.constant 0 : i32
        %get3A_354 = arith.index_cast %get3A_353 : i32 to index
        %get3A_355 = arith.index_cast %scan3A_345 : i32 to index
        %get3A_356 = arith.constant 16 : index
        %get3A_357 = tpu.vector_load %arg6[%get3A_354, %get3A_355, %get3A_356] {strides = array<i32>} : memref<2x208x64xf32, #tpu.memory_space<vmem>>, vector<1x1x16xf32>,
        %get3A_358 = vector.shape_cast %get3A_357 : vector<1x1x16xf32> to vector<16xf32>
        %add3A_359 = arith.addf %add3A_329, %get3A_358 : vector<16xf32>
        %get3A_360 = arith.constant 0 : i32
        %get3A_361 = arith.index_cast %get3A_360 : i32 to index
        %get3A_362 = arith.index_cast %scan3A_345 : i32 to index
        %get3A_363 = arith.constant 32 : index
        %get3A_364 = tpu.vector_load %arg6[%get3A_361, %get3A_362, %get3A_363] {strides = array<i32>} : memref<2x208x64xf32, #tpu.memory_space<vmem>>, vector<1x1x16xf32>,
        %get3A_365 = vector.shape_cast %get3A_364 : vector<1x1x16xf32> to vector<16xf32>
        %add3A_366 = arith.addf %add3A_336, %get3A_365 : vector<16xf32>
        %get3A_367 = arith.constant 0 : i32
        %get3A_368 = arith.index_cast %get3A_367 : i32 to index
        %get3A_369 = arith.index_cast %scan3A_345 : i32 to index
        %get3A_370 = arith.constant 48 : index
        %get3A_371 = tpu.vector_load %arg6[%get3A_368, %get3A_369, %get3A_370] {strides = array<i32>} : memref<2x208x64xf32, #tpu.memory_space<vmem>>, vector<1x1x16xf32>,
        %get3A_372 = vector.shape_cast %get3A_371 : vector<1x1x16xf32> to vector<16xf32>
        %add3A_373 = arith.addf %add3A_343, %get3A_372 : vector<16xf32>
        %scan3A_374 = arith.constant 7 : i32
        %scan3A_375 = arith.addi %scan3A_162, %scan3A_374 : i32
        %get3A_376 = arith.constant 0 : i32
        %get3A_377 = arith.index_cast %get3A_376 : i32 to index
        %get3A_378 = arith.index_cast %scan3A_375 : i32 to index
        %get3A_379 = arith.constant 0 : index
        %get3A_380 = tpu.vector_load %arg6[%get3A_377, %get3A_378, %get3A_379] {strides = array<i32>} : memref<2x208x64xf32, #tpu.memory_space<vmem>>, vector<1x1x16xf32>,
        %get3A_381 = vector.shape_cast %get3A_380 : vector<1x1x16xf32> to vector<16xf32>
        %add3A_382 = arith.addf %add3A_352, %get3A_381 : vector<16xf32>
        %get3A_383 = arith.constant 0 : i32
        %get3A_384 = arith.index_cast %get3A_383 : i32 to index
        %get3A_385 = arith.index_cast %scan3A_375 : i32 to index
        %get3A_386 = arith.constant 16 : index
        %get3A_387 = tpu.vector_load %arg6[%get3A_384, %get3A_385, %get3A_386] {strides = array<i32>} : memref<2x208x64xf32, #tpu.memory_space<vmem>>, vector<1x1x16xf32>,
        %get3A_388 = vector.shape_cast %get3A_387 : vector<1x1x16xf32> to vector<16xf32>
        %add3A_389 = arith.addf %add3A_359, %get3A_388 : vector<16xf32>
        %get3A_390 = arith.constant 0 : i32
        %get3A_391 = arith.index_cast %get3A_390 : i32 to index
        %get3A_392 = arith.index_cast %scan3A_375 : i32 to index
        %get3A_393 = arith.constant 32 : index
        %get3A_394 = tpu.vector_load %arg6[%get3A_391, %get3A_392, %get3A_393] {strides = array<i32>} : memref<2x208x64xf32, #tpu.memory_space<vmem>>, vector<1x1x16xf32>,
        %get3A_395 = vector.shape_cast %get3A_394 : vector<1x1x16xf32> to vector<16xf32>
        %add3A_396 = arith.addf %add3A_366, %get3A_395 : vector<16xf32>
        %get3A_397 = arith.constant 0 : i32
        %get3A_398 = arith.index_cast %get3A_397 : i32 to index
        %get3A_399 = arith.index_cast %scan3A_375 : i32 to index
        %get3A_400 = arith.constant 48 : index
        %get3A_401 = tpu.vector_load %arg6[%get3A_398, %get3A_399, %get3A_400] {strides = array<i32>} : memref<2x208x64xf32, #tpu.memory_space<vmem>>, vector<1x1x16xf32>,
        %get3A_402 = vector.shape_cast %get3A_401 : vector<1x1x16xf32> to vector<16xf32>
        %add3A_403 = arith.addf %add3A_373, %get3A_402 : vector<16xf32>
        scf.yield %add3A_382, %add3A_389, %add3A_396, %add3A_403 : vector<16xf32>, vector<16xf32>, vector<16xf32>, vector<16xf32>
      }
      %scan3A_88 = arith.constant 200 : i32
      %swap3A = arith.index_cast %add3A_63 : i32 to index
      %swap3A_89 = arith.constant 0 : index
      %swap3A_90 = tpu.vector_load %arg7[%swap3A, %swap3A_89] {strides = array<i32>} : memref<128x64xf32, #tpu.memory_space<vmem>>, vector<1x16xf32>,
      %swap3A_91 = vector.shape_cast %swap3A_90 : vector<1x16xf32> to vector<16xf32>
      %swap3A_92 = vector.shape_cast %scan3A_87#0 : vector<16xf32> to vector<1x16xf32>
      tpu.vector_store %arg7[%swap3A, %swap3A_89], %swap3A_92 {strides = array<i32>} : memref<128x64xf32, #tpu.memory_space<vmem>>, vector<1x16xf32>,
      %swap3A_93 = arith.index_cast %add3A_63 : i32 to index
      %swap3A_94 = arith.constant 16 : index
      %swap3A_95 = tpu.vector_load %arg7[%swap3A_93, %swap3A_94] {strides = array<i32>} : memref<128x64xf32, #tpu.memory_space<vmem>>, vector<1x16xf32>,
      %swap3A_96 = vector.shape_cast %swap3A_95 : vector<1x16xf32> to vector<16xf32>
      %swap3A_97 = vector.shape_cast %scan3A_87#1 : vector<16xf32> to vector<1x16xf32>
      tpu.vector_store %arg7[%swap3A_93, %swap3A_94], %swap3A_97 {strides = array<i32>} : memref<128x64xf32, #tpu.memory_space<vmem>>, vector<1x16xf32>,
      %swap3A_98 = arith.index_cast %add3A_63 : i32 to index
      %swap3A_99 = arith.constant 32 : index
      %swap3A_100 = tpu.vector_load %arg7[%swap3A_98, %swap3A_99] {strides = array<i32>} : memref<128x64xf32, #tpu.memory_space<vmem>>, vector<1x16xf32>,
      %swap3A_101 = vector.shape_cast %swap3A_100 : vector<1x16xf32> to vector<16xf32>
      %swap3A_102 = vector.shape_cast %scan3A_87#2 : vector<16xf32> to vector<1x16xf32>
      tpu.vector_store %arg7[%swap3A_98, %swap3A_99], %swap3A_102 {strides = array<i32>} : memref<128x64xf32, #tpu.memory_space<vmem>>, vector<1x16xf32>,
      %swap3A_103 = arith.index_cast %add3A_63 : i32 to index
      %swap3A_104 = arith.constant 48 : index
      %swap3A_105 = tpu.vector_load %arg7[%swap3A_103, %swap3A_104] {strides = array<i32>} : memref<128x64xf32, #tpu.memory_space<vmem>>, vector<1x16xf32>,
      %swap3A_106 = vector.shape_cast %swap3A_105 : vector<1x16xf32> to vector<16xf32>
      %swap3A_107 = vector.shape_cast %scan3A_87#3 : vector<16xf32> to vector<1x16xf32>
      tpu.vector_store %arg7[%swap3A_103, %swap3A_104], %swap3A_107 {strides = array<i32>} : memref<128x64xf32, #tpu.memory_space<vmem>>, vector<1x16xf32>,
      %mul3A_108 = arith.constant 2 : i32
      %mul3A_109 = arith.muli %mul3A_108, %scan3A_59 : i32
      %add3A_110 = arith.constant 1 : i32
      %add3A_111 = arith.addi %mul3A_109, %add3A_110 : i32
      %dma_wait3A_112 = arith.constant 1 : i32
      %dma_wait3A_113 = arith.constant 0 : i32
      %dma_wait3A_114 = arith.constant 0 : i32
      %dma_wait3A_115 = tpu.memref_slice %arg6[%dma_wait3A_112, %dma_wait3A_113, %dma_wait3A_114] : memref<2x208x64xf32, #tpu.memory_space<vmem>> -> memref<1x208x64xf32, #tpu.memory_space<vmem>>
      %dma_wait3A_116 = tpu.memref_squeeze %dma_wait3A_115 : memref<1x208x64xf32, #tpu.memory_space<vmem>> -> memref<208x64xf32, #tpu.memory_space<vmem>>
      %dma_wait3A_117 = arith.constant 0 : i32
      %dma_wait3A_118 = arith.constant 0 : i32
      %dma_wait3A_119 = tpu.memref_slice %arg3[%dma_wait3A_117, %dma_wait3A_118] : memref<1000000x64xf32, #tpu.memory_space<hbm>> -> memref<208x64xf32, #tpu.memory_space<hbm>>
      %dma_wait3A_120 = arith.constant 0 : i32
      %dma_wait3A_121 = arith.constant 0 : i32
      %dma_wait3A_122 = tpu.memref_slice %arg6[%dma_wait3A_112, %dma_wait3A_120, %dma_wait3A_121] : memref<2x208x64xf32, #tpu.memory_space<vmem>> -> memref<1x208x64xf32, #tpu.memory_space<vmem>>
      %dma_wait3A_123 = tpu.memref_squeeze %dma_wait3A_122 : memref<1x208x64xf32, #tpu.memory_space<vmem>> -> memref<208x64xf32, #tpu.memory_space<vmem>>
      %dma_wait3A_124 = arith.constant 0 : i32
      %dma_wait3A_125 = arith.constant 0 : i32
      %dma_wait3A_126 = tpu.memref_slice %arg3[%dma_wait3A_124, %dma_wait3A_125] : memref<1000000x64xf32, #tpu.memory_space<hbm>> -> memref<208x64xf32, #tpu.memory_space<hbm>>
      tpu.wait_dma2 semaphore(%arg9 : memref<!tpu.dma_semaphore, #tpu.memory_space<semaphore_mem>>) src(%dma_wait3A_126 : memref<208x64xf32, #tpu.memory_space<hbm>>) dst(%dma_wait3A_123 : memref<208x64xf32, #tpu.memory_space<vmem>>)
      %add3A_127 = arith.constant 2 : i32
      %add3A_128 = arith.addi %add3A_111, %add3A_127 : i32
      %lt3A_129 = arith.constant 128 : i32
      %lt3A_130 = arith.cmpi slt, %add3A_128, %lt3A_129 : i32
      %convert_element_type3A_131 = arith.extui %lt3A_130 : i1 to i32
      %cond3A_132 = arith.constant 0 : i32
      %cond3A_133 = arith.cmpi ne, %convert_element_type3A_131, %cond3A_132 : i32
      scf.if %cond3A_133 {
        %dma_start3A_162 = arith.constant 0 : i32
        %dma_start3A_163 = arith.constant 1 : i32
        %dma_start3A_164 = arith.constant 0 : i32
        %dma_start3A_165 = arith.constant 0 : i32
        %dma_start3A_166 = tpu.memref_slice %arg6[%dma_start3A_163, %dma_start3A_164, %dma_start3A_165] : memref<2x208x64xf32, #tpu.memory_space<vmem>> -> memref<1x104x64xf32, #tpu.memory_space<vmem>>
        %dma_start3A_167 = tpu.memref_squeeze %dma_start3A_166 : memref<1x104x64xf32, #tpu.memory_space<vmem>> -> memref<104x64xf32, #tpu.memory_space<vmem>>
        %dma_start3A_168 = arith.constant 0 : i32
        %dma_start3A_169 = tpu.memref_slice %arg5[%add3A_128, %dma_start3A_162, %dma_start3A_168] : memref<128x2x104xi32, #tpu.memory_space<vmem>> -> memref<1x1x104xi32, #tpu.memory_space<vmem>>
        %dma_start3A_170 = tpu.memref_squeeze %dma_start3A_169 : memref<1x1x104xi32, #tpu.memory_space<vmem>> -> memref<104xi32, #tpu.memory_space<vmem>>
        %dma_start3A_171 = arith.constant 0 : i32
        %dma_start3A_172 = arith.constant 0 : i32
        %dma_start3A_173 = tpu.memref_slice %arg3[%dma_start3A_171, %dma_start3A_172] : memref<1000000x64xf32, #tpu.memory_space<hbm>> -> memref<1000000x64xf32, #tpu.memory_space<hbm>>
        tpu.enqueue_indirect_dma source(%dma_start3A_173 : memref<1000000x64xf32, #tpu.memory_space<hbm>>) target(%dma_start3A_167 : memref<104x64xf32, #tpu.memory_space<vmem>>) offsets(%dma_start3A_170 : memref<104xi32, #tpu.memory_space<vmem>>) semaphore(%arg9 : memref<!tpu.dma_semaphore, #tpu.memory_space<semaphore_mem>>)
        %dma_start3A_174 = arith.constant 1 : i32
        %dma_start3A_175 = arith.constant 1 : i32
        %dma_start3A_176 = arith.constant 104 : i32
        %dma_start3A_177 = arith.constant 0 : i32
        %dma_start3A_178 = tpu.memref_slice %arg6[%dma_start3A_175, %dma_start3A_176, %dma_start3A_177] : memref<2x208x64xf32, #tpu.memory_space<vmem>> -> memref<1x104x64xf32, #tpu.memory_space<vmem>>
        %dma_start3A_179 = tpu.memref_squeeze %dma_start3A_178 : memref<1x104x64xf32, #tpu.memory_space<vmem>> -> memref<104x64xf32, #tpu.memory_space<vmem>>
        %dma_start3A_180 = arith.constant 0 : i32
        %dma_start3A_181 = tpu.memref_slice %arg5[%add3A_128, %dma_start3A_174, %dma_start3A_180] : memref<128x2x104xi32, #tpu.memory_space<vmem>> -> memref<1x1x104xi32, #tpu.memory_space<vmem>>
        %dma_start3A_182 = tpu.memref_squeeze %dma_start3A_181 : memref<1x1x104xi32, #tpu.memory_space<vmem>> -> memref<104xi32, #tpu.memory_space<vmem>>
        %dma_start3A_183 = arith.constant 0 : i32
        %dma_start3A_184 = arith.constant 0 : i32
        %dma_start3A_185 = tpu.memref_slice %arg3[%dma_start3A_183, %dma_start3A_184] : memref<1000000x64xf32, #tpu.memory_space<hbm>> -> memref<1000000x64xf32, #tpu.memory_space<hbm>>
        tpu.enqueue_indirect_dma source(%dma_start3A_185 : memref<1000000x64xf32, #tpu.memory_space<hbm>>) target(%dma_start3A_179 : memref<104x64xf32, #tpu.memory_space<vmem>>) offsets(%dma_start3A_182 : memref<104xi32, #tpu.memory_space<vmem>>) semaphore(%arg9 : memref<!tpu.dma_semaphore, #tpu.memory_space<semaphore_mem>>)
      } else {
      }
      %broadcast_in_dim3A_134 = arith.constant 0.000000e+00 : f32
      %broadcast_in_dim3A_135 = vector.broadcast %broadcast_in_dim3A_134 : f32 to vector<16xf32>
      %scan3A_136 = arith.constant 0 : i32
      %scan3A_137 = arith.constant 200 : i32
      %scan3A_138 = arith.addi %scan3A_136, %scan3A_137 : i32
      %scan3A_139 = arith.constant 8 : i32
      %scan3A_140:4 = scf.for %scan3A_162 = %scan3A_136 to %scan3A_138 step %scan3A_139 iter_args(%scan3A_163 = %broadcast_in_dim3A_135, %scan3A_164 = %broadcast_in_dim3A_135, %scan3A_165 = %broadcast_in_dim3A_135, %scan3A_166 = %broadcast_in_dim3A_135) -> (vector<16xf32>, vector<16xf32>, vector<16xf32>, vector<16xf32>)  : i32 {
        %get3A = arith.constant 1 : i32
        %get3A_167 = arith.index_cast %get3A : i32 to index
        %get3A_168 = arith.index_cast %scan3A_162 : i32 to index
        %get3A_169 = arith.constant 0 : index
        %get3A_170 = tpu.vector_load %arg6[%get3A_167, %get3A_168, %get3A_169] {strides = array<i32>} : memref<2x208x64xf32, #tpu.memory_space<vmem>>, vector<1x1x16xf32>,
        %get3A_171 = vector.shape_cast %get3A_170 : vector<1x1x16xf32> to vector<16xf32>
        %add3A_172 = arith.addf %scan3A_163, %get3A_171 : vector<16xf32>
        %get3A_173 = arith.constant 1 : i32
        %get3A_174 = arith.index_cast %get3A_173 : i32 to index
        %get3A_175 = arith.index_cast %scan3A_162 : i32 to index
        %get3A_176 = arith.constant 16 : index
        %get3A_177 = tpu.vector_load %arg6[%get3A_174, %get3A_175, %get3A_176] {strides = array<i32>} : memref<2x208x64xf32, #tpu.memory_space<vmem>>, vector<1x1x16xf32>,
        %get3A_178 = vector.shape_cast %get3A_177 : vector<1x1x16xf32> to vector<16xf32>
        %add3A_179 = arith.addf %scan3A_164, %get3A_178 : vector<16xf32>
        %get3A_180 = arith.constant 1 : i32
        %get3A_181 = arith.index_cast %get3A_180 : i32 to index
        %get3A_182 = arith.index_cast %scan3A_162 : i32 to index
        %get3A_183 = arith.constant 32 : index
        %get3A_184 = tpu.vector_load %arg6[%get3A_181, %get3A_182, %get3A_183] {strides = array<i32>} : memref<2x208x64xf32, #tpu.memory_space<vmem>>, vector<1x1x16xf32>,
        %get3A_185 = vector.shape_cast %get3A_184 : vector<1x1x16xf32> to vector<16xf32>
        %add3A_186 = arith.addf %scan3A_165, %get3A_185 : vector<16xf32>
        %get3A_187 = arith.constant 1 : i32
        %get3A_188 = arith.index_cast %get3A_187 : i32 to index
        %get3A_189 = arith.index_cast %scan3A_162 : i32 to index
        %get3A_190 = arith.constant 48 : index
        %get3A_191 = tpu.vector_load %arg6[%get3A_188, %get3A_189, %get3A_190] {strides = array<i32>} : memref<2x208x64xf32, #tpu.memory_space<vmem>>, vector<1x1x16xf32>,
        %get3A_192 = vector.shape_cast %get3A_191 : vector<1x1x16xf32> to vector<16xf32>
        %add3A_193 = arith.addf %scan3A_166, %get3A_192 : vector<16xf32>
        %scan3A_194 = arith.constant 1 : i32
        %scan3A_195 = arith.addi %scan3A_162, %scan3A_194 : i32
        %get3A_196 = arith.constant 1 : i32
        %get3A_197 = arith.index_cast %get3A_196 : i32 to index
        %get3A_198 = arith.index_cast %scan3A_195 : i32 to index
        %get3A_199 = arith.constant 0 : index
        %get3A_200 = tpu.vector_load %arg6[%get3A_197, %get3A_198, %get3A_199] {strides = array<i32>} : memref<2x208x64xf32, #tpu.memory_space<vmem>>, vector<1x1x16xf32>,
        %get3A_201 = vector.shape_cast %get3A_200 : vector<1x1x16xf32> to vector<16xf32>
        %add3A_202 = arith.addf %add3A_172, %get3A_201 : vector<16xf32>
        %get3A_203 = arith.constant 1 : i32
        %get3A_204 = arith.index_cast %get3A_203 : i32 to index
        %get3A_205 = arith.index_cast %scan3A_195 : i32 to index
        %get3A_206 = arith.constant 16 : index
        %get3A_207 = tpu.vector_load %arg6[%get3A_204, %get3A_205, %get3A_206] {strides = array<i32>} : memref<2x208x64xf32, #tpu.memory_space<vmem>>, vector<1x1x16xf32>,
        %get3A_208 = vector.shape_cast %get3A_207 : vector<1x1x16xf32> to vector<16xf32>
        %add3A_209 = arith.addf %add3A_179, %get3A_208 : vector<16xf32>
        %get3A_210 = arith.constant 1 : i32
        %get3A_211 = arith.index_cast %get3A_210 : i32 to index
        %get3A_212 = arith.index_cast %scan3A_195 : i32 to index
        %get3A_213 = arith.constant 32 : index
        %get3A_214 = tpu.vector_load %arg6[%get3A_211, %get3A_212, %get3A_213] {strides = array<i32>} : memref<2x208x64xf32, #tpu.memory_space<vmem>>, vector<1x1x16xf32>,
        %get3A_215 = vector.shape_cast %get3A_214 : vector<1x1x16xf32> to vector<16xf32>
        %add3A_216 = arith.addf %add3A_186, %get3A_215 : vector<16xf32>
        %get3A_217 = arith.constant 1 : i32
        %get3A_218 = arith.index_cast %get3A_217 : i32 to index
        %get3A_219 = arith.index_cast %scan3A_195 : i32 to index
        %get3A_220 = arith.constant 48 : index
        %get3A_221 = tpu.vector_load %arg6[%get3A_218, %get3A_219, %get3A_220] {strides = array<i32>} : memref<2x208x64xf32, #tpu.memory_space<vmem>>, vector<1x1x16xf32>,
        %get3A_222 = vector.shape_cast %get3A_221 : vector<1x1x16xf32> to vector<16xf32>
        %add3A_223 = arith.addf %add3A_193, %get3A_222 : vector<16xf32>
        %scan3A_224 = arith.constant 2 : i32
        %scan3A_225 = arith.addi %scan3A_162, %scan3A_224 : i32
        %get3A_226 = arith.constant 1 : i32
        %get3A_227 = arith.index_cast %get3A_226 : i32 to index
        %get3A_228 = arith.index_cast %scan3A_225 : i32 to index
        %get3A_229 = arith.constant 0 : index
        %get3A_230 = tpu.vector_load %arg6[%get3A_227, %get3A_228, %get3A_229] {strides = array<i32>} : memref<2x208x64xf32, #tpu.memory_space<vmem>>, vector<1x1x16xf32>,
        %get3A_231 = vector.shape_cast %get3A_230 : vector<1x1x16xf32> to vector<16xf32>
        %add3A_232 = arith.addf %add3A_202, %get3A_231 : vector<16xf32>
        %get3A_233 = arith.constant 1 : i32
        %get3A_234 = arith.index_cast %get3A_233 : i32 to index
        %get3A_235 = arith.index_cast %scan3A_225 : i32 to index
        %get3A_236 = arith.constant 16 : index
        %get3A_237 = tpu.vector_load %arg6[%get3A_234, %get3A_235, %get3A_236] {strides = array<i32>} : memref<2x208x64xf32, #tpu.memory_space<vmem>>, vector<1x1x16xf32>,
        %get3A_238 = vector.shape_cast %get3A_237 : vector<1x1x16xf32> to vector<16xf32>
        %add3A_239 = arith.addf %add3A_209, %get3A_238 : vector<16xf32>
        %get3A_240 = arith.constant 1 : i32
        %get3A_241 = arith.index_cast %get3A_240 : i32 to index
        %get3A_242 = arith.index_cast %scan3A_225 : i32 to index
        %get3A_243 = arith.constant 32 : index
        %get3A_244 = tpu.vector_load %arg6[%get3A_241, %get3A_242, %get3A_243] {strides = array<i32>} : memref<2x208x64xf32, #tpu.memory_space<vmem>>, vector<1x1x16xf32>,
        %get3A_245 = vector.shape_cast %get3A_244 : vector<1x1x16xf32> to vector<16xf32>
        %add3A_246 = arith.addf %add3A_216, %get3A_245 : vector<16xf32>
        %get3A_247 = arith.constant 1 : i32
        %get3A_248 = arith.index_cast %get3A_247 : i32 to index
        %get3A_249 = arith.index_cast %scan3A_225 : i32 to index
        %get3A_250 = arith.constant 48 : index
        %get3A_251 = tpu.vector_load %arg6[%get3A_248, %get3A_249, %get3A_250] {strides = array<i32>} : memref<2x208x64xf32, #tpu.memory_space<vmem>>, vector<1x1x16xf32>,
        %get3A_252 = vector.shape_cast %get3A_251 : vector<1x1x16xf32> to vector<16xf32>
        %add3A_253 = arith.addf %add3A_223, %get3A_252 : vector<16xf32>
        %scan3A_254 = arith.constant 3 : i32
        %scan3A_255 = arith.addi %scan3A_162, %scan3A_254 : i32
        %get3A_256 = arith.constant 1 : i32
        %get3A_257 = arith.index_cast %get3A_256 : i32 to index
        %get3A_258 = arith.index_cast %scan3A_255 : i32 to index
        %get3A_259 = arith.constant 0 : index
        %get3A_260 = tpu.vector_load %arg6[%get3A_257, %get3A_258, %get3A_259] {strides = array<i32>} : memref<2x208x64xf32, #tpu.memory_space<vmem>>, vector<1x1x16xf32>,
        %get3A_261 = vector.shape_cast %get3A_260 : vector<1x1x16xf32> to vector<16xf32>
        %add3A_262 = arith.addf %add3A_232, %get3A_261 : vector<16xf32>
        %get3A_263 = arith.constant 1 : i32
        %get3A_264 = arith.index_cast %get3A_263 : i32 to index
        %get3A_265 = arith.index_cast %scan3A_255 : i32 to index
        %get3A_266 = arith.constant 16 : index
        %get3A_267 = tpu.vector_load %arg6[%get3A_264, %get3A_265, %get3A_266] {strides = array<i32>} : memref<2x208x64xf32, #tpu.memory_space<vmem>>, vector<1x1x16xf32>,
        %get3A_268 = vector.shape_cast %get3A_267 : vector<1x1x16xf32> to vector<16xf32>
        %add3A_269 = arith.addf %add3A_239, %get3A_268 : vector<16xf32>
        %get3A_270 = arith.constant 1 : i32
        %get3A_271 = arith.index_cast %get3A_270 : i32 to index
        %get3A_272 = arith.index_cast %scan3A_255 : i32 to index
        %get3A_273 = arith.constant 32 : index
        %get3A_274 = tpu.vector_load %arg6[%get3A_271, %get3A_272, %get3A_273] {strides = array<i32>} : memref<2x208x64xf32, #tpu.memory_space<vmem>>, vector<1x1x16xf32>,
        %get3A_275 = vector.shape_cast %get3A_274 : vector<1x1x16xf32> to vector<16xf32>
        %add3A_276 = arith.addf %add3A_246, %get3A_275 : vector<16xf32>
        %get3A_277 = arith.constant 1 : i32
        %get3A_278 = arith.index_cast %get3A_277 : i32 to index
        %get3A_279 = arith.index_cast %scan3A_255 : i32 to index
        %get3A_280 = arith.constant 48 : index
        %get3A_281 = tpu.vector_load %arg6[%get3A_278, %get3A_279, %get3A_280] {strides = array<i32>} : memref<2x208x64xf32, #tpu.memory_space<vmem>>, vector<1x1x16xf32>,
        %get3A_282 = vector.shape_cast %get3A_281 : vector<1x1x16xf32> to vector<16xf32>
        %add3A_283 = arith.addf %add3A_253, %get3A_282 : vector<16xf32>
        %scan3A_284 = arith.constant 4 : i32
        %scan3A_285 = arith.addi %scan3A_162, %scan3A_284 : i32
        %get3A_286 = arith.constant 1 : i32
        %get3A_287 = arith.index_cast %get3A_286 : i32 to index
        %get3A_288 = arith.index_cast %scan3A_285 : i32 to index
        %get3A_289 = arith.constant 0 : index
        %get3A_290 = tpu.vector_load %arg6[%get3A_287, %get3A_288, %get3A_289] {strides = array<i32>} : memref<2x208x64xf32, #tpu.memory_space<vmem>>, vector<1x1x16xf32>,
        %get3A_291 = vector.shape_cast %get3A_290 : vector<1x1x16xf32> to vector<16xf32>
        %add3A_292 = arith.addf %add3A_262, %get3A_291 : vector<16xf32>
        %get3A_293 = arith.constant 1 : i32
        %get3A_294 = arith.index_cast %get3A_293 : i32 to index
        %get3A_295 = arith.index_cast %scan3A_285 : i32 to index
        %get3A_296 = arith.constant 16 : index
        %get3A_297 = tpu.vector_load %arg6[%get3A_294, %get3A_295, %get3A_296] {strides = array<i32>} : memref<2x208x64xf32, #tpu.memory_space<vmem>>, vector<1x1x16xf32>,
        %get3A_298 = vector.shape_cast %get3A_297 : vector<1x1x16xf32> to vector<16xf32>
        %add3A_299 = arith.addf %add3A_269, %get3A_298 : vector<16xf32>
        %get3A_300 = arith.constant 1 : i32
        %get3A_301 = arith.index_cast %get3A_300 : i32 to index
        %get3A_302 = arith.index_cast %scan3A_285 : i32 to index
        %get3A_303 = arith.constant 32 : index
        %get3A_304 = tpu.vector_load %arg6[%get3A_301, %get3A_302, %get3A_303] {strides = array<i32>} : memref<2x208x64xf32, #tpu.memory_space<vmem>>, vector<1x1x16xf32>,
        %get3A_305 = vector.shape_cast %get3A_304 : vector<1x1x16xf32> to vector<16xf32>
        %add3A_306 = arith.addf %add3A_276, %get3A_305 : vector<16xf32>
        %get3A_307 = arith.constant 1 : i32
        %get3A_308 = arith.index_cast %get3A_307 : i32 to index
        %get3A_309 = arith.index_cast %scan3A_285 : i32 to index
        %get3A_310 = arith.constant 48 : index
        %get3A_311 = tpu.vector_load %arg6[%get3A_308, %get3A_309, %get3A_310] {strides = array<i32>} : memref<2x208x64xf32, #tpu.memory_space<vmem>>, vector<1x1x16xf32>,
        %get3A_312 = vector.shape_cast %get3A_311 : vector<1x1x16xf32> to vector<16xf32>
        %add3A_313 = arith.addf %add3A_283, %get3A_312 : vector<16xf32>
        %scan3A_314 = arith.constant 5 : i32
        %scan3A_315 = arith.addi %scan3A_162, %scan3A_314 : i32
        %get3A_316 = arith.constant 1 : i32
        %get3A_317 = arith.index_cast %get3A_316 : i32 to index
        %get3A_318 = arith.index_cast %scan3A_315 : i32 to index
        %get3A_319 = arith.constant 0 : index
        %get3A_320 = tpu.vector_load %arg6[%get3A_317, %get3A_318, %get3A_319] {strides = array<i32>} : memref<2x208x64xf32, #tpu.memory_space<vmem>>, vector<1x1x16xf32>,
        %get3A_321 = vector.shape_cast %get3A_320 : vector<1x1x16xf32> to vector<16xf32>
        %add3A_322 = arith.addf %add3A_292, %get3A_321 : vector<16xf32>
        %get3A_323 = arith.constant 1 : i32
        %get3A_324 = arith.index_cast %get3A_323 : i32 to index
        %get3A_325 = arith.index_cast %scan3A_315 : i32 to index
        %get3A_326 = arith.constant 16 : index
        %get3A_327 = tpu.vector_load %arg6[%get3A_324, %get3A_325, %get3A_326] {strides = array<i32>} : memref<2x208x64xf32, #tpu.memory_space<vmem>>, vector<1x1x16xf32>,
        %get3A_328 = vector.shape_cast %get3A_327 : vector<1x1x16xf32> to vector<16xf32>
        %add3A_329 = arith.addf %add3A_299, %get3A_328 : vector<16xf32>
        %get3A_330 = arith.constant 1 : i32
        %get3A_331 = arith.index_cast %get3A_330 : i32 to index
        %get3A_332 = arith.index_cast %scan3A_315 : i32 to index
        %get3A_333 = arith.constant 32 : index
        %get3A_334 = tpu.vector_load %arg6[%get3A_331, %get3A_332, %get3A_333] {strides = array<i32>} : memref<2x208x64xf32, #tpu.memory_space<vmem>>, vector<1x1x16xf32>,
        %get3A_335 = vector.shape_cast %get3A_334 : vector<1x1x16xf32> to vector<16xf32>
        %add3A_336 = arith.addf %add3A_306, %get3A_335 : vector<16xf32>
        %get3A_337 = arith.constant 1 : i32
        %get3A_338 = arith.index_cast %get3A_337 : i32 to index
        %get3A_339 = arith.index_cast %scan3A_315 : i32 to index
        %get3A_340 = arith.constant 48 : index
        %get3A_341 = tpu.vector_load %arg6[%get3A_338, %get3A_339, %get3A_340] {strides = array<i32>} : memref<2x208x64xf32, #tpu.memory_space<vmem>>, vector<1x1x16xf32>,
        %get3A_342 = vector.shape_cast %get3A_341 : vector<1x1x16xf32> to vector<16xf32>
        %add3A_343 = arith.addf %add3A_313, %get3A_342 : vector<16xf32>
        %scan3A_344 = arith.constant 6 : i32
        %scan3A_345 = arith.addi %scan3A_162, %scan3A_344 : i32
        %get3A_346 = arith.constant 1 : i32
        %get3A_347 = arith.index_cast %get3A_346 : i32 to index
        %get3A_348 = arith.index_cast %scan3A_345 : i32 to index
        %get3A_349 = arith.constant 0 : index
        %get3A_350 = tpu.vector_load %arg6[%get3A_347, %get3A_348, %get3A_349] {strides = array<i32>} : memref<2x208x64xf32, #tpu.memory_space<vmem>>, vector<1x1x16xf32>,
        %get3A_351 = vector.shape_cast %get3A_350 : vector<1x1x16xf32> to vector<16xf32>
        %add3A_352 = arith.addf %add3A_322, %get3A_351 : vector<16xf32>
        %get3A_353 = arith.constant 1 : i32
        %get3A_354 = arith.index_cast %get3A_353 : i32 to index
        %get3A_355 = arith.index_cast %scan3A_345 : i32 to index
        %get3A_356 = arith.constant 16 : index
        %get3A_357 = tpu.vector_load %arg6[%get3A_354, %get3A_355, %get3A_356] {strides = array<i32>} : memref<2x208x64xf32, #tpu.memory_space<vmem>>, vector<1x1x16xf32>,
        %get3A_358 = vector.shape_cast %get3A_357 : vector<1x1x16xf32> to vector<16xf32>
        %add3A_359 = arith.addf %add3A_329, %get3A_358 : vector<16xf32>
        %get3A_360 = arith.constant 1 : i32
        %get3A_361 = arith.index_cast %get3A_360 : i32 to index
        %get3A_362 = arith.index_cast %scan3A_345 : i32 to index
        %get3A_363 = arith.constant 32 : index
        %get3A_364 = tpu.vector_load %arg6[%get3A_361, %get3A_362, %get3A_363] {strides = array<i32>} : memref<2x208x64xf32, #tpu.memory_space<vmem>>, vector<1x1x16xf32>,
        %get3A_365 = vector.shape_cast %get3A_364 : vector<1x1x16xf32> to vector<16xf32>
        %add3A_366 = arith.addf %add3A_336, %get3A_365 : vector<16xf32>
        %get3A_367 = arith.constant 1 : i32
        %get3A_368 = arith.index_cast %get3A_367 : i32 to index
        %get3A_369 = arith.index_cast %scan3A_345 : i32 to index
        %get3A_370 = arith.constant 48 : index
        %get3A_371 = tpu.vector_load %arg6[%get3A_368, %get3A_369, %get3A_370] {strides = array<i32>} : memref<2x208x64xf32, #tpu.memory_space<vmem>>, vector<1x1x16xf32>,
        %get3A_372 = vector.shape_cast %get3A_371 : vector<1x1x16xf32> to vector<16xf32>
        %add3A_373 = arith.addf %add3A_343, %get3A_372 : vector<16xf32>
        %scan3A_374 = arith.constant 7 : i32
        %scan3A_375 = arith.addi %scan3A_162, %scan3A_374 : i32
        %get3A_376 = arith.constant 1 : i32
        %get3A_377 = arith.index_cast %get3A_376 : i32 to index
        %get3A_378 = arith.index_cast %scan3A_375 : i32 to index
        %get3A_379 = arith.constant 0 : index
        %get3A_380 = tpu.vector_load %arg6[%get3A_377, %get3A_378, %get3A_379] {strides = array<i32>} : memref<2x208x64xf32, #tpu.memory_space<vmem>>, vector<1x1x16xf32>,
        %get3A_381 = vector.shape_cast %get3A_380 : vector<1x1x16xf32> to vector<16xf32>
        %add3A_382 = arith.addf %add3A_352, %get3A_381 : vector<16xf32>
        %get3A_383 = arith.constant 1 : i32
        %get3A_384 = arith.index_cast %get3A_383 : i32 to index
        %get3A_385 = arith.index_cast %scan3A_375 : i32 to index
        %get3A_386 = arith.constant 16 : index
        %get3A_387 = tpu.vector_load %arg6[%get3A_384, %get3A_385, %get3A_386] {strides = array<i32>} : memref<2x208x64xf32, #tpu.memory_space<vmem>>, vector<1x1x16xf32>,
        %get3A_388 = vector.shape_cast %get3A_387 : vector<1x1x16xf32> to vector<16xf32>
        %add3A_389 = arith.addf %add3A_359, %get3A_388 : vector<16xf32>
        %get3A_390 = arith.constant 1 : i32
        %get3A_391 = arith.index_cast %get3A_390 : i32 to index
        %get3A_392 = arith.index_cast %scan3A_375 : i32 to index
        %get3A_393 = arith.constant 32 : index
        %get3A_394 = tpu.vector_load %arg6[%get3A_391, %get3A_392, %get3A_393] {strides = array<i32>} : memref<2x208x64xf32, #tpu.memory_space<vmem>>, vector<1x1x16xf32>,
        %get3A_395 = vector.shape_cast %get3A_394 : vector<1x1x16xf32> to vector<16xf32>
        %add3A_396 = arith.addf %add3A_366, %get3A_395 : vector<16xf32>
        %get3A_397 = arith.constant 1 : i32
        %get3A_398 = arith.index_cast %get3A_397 : i32 to index
        %get3A_399 = arith.index_cast %scan3A_375 : i32 to index
        %get3A_400 = arith.constant 48 : index
        %get3A_401 = tpu.vector_load %arg6[%get3A_398, %get3A_399, %get3A_400] {strides = array<i32>} : memref<2x208x64xf32, #tpu.memory_space<vmem>>, vector<1x1x16xf32>,
        %get3A_402 = vector.shape_cast %get3A_401 : vector<1x1x16xf32> to vector<16xf32>
        %add3A_403 = arith.addf %add3A_373, %get3A_402 : vector<16xf32>
        scf.yield %add3A_382, %add3A_389, %add3A_396, %add3A_403 : vector<16xf32>, vector<16xf32>, vector<16xf32>, vector<16xf32>
      }
      %scan3A_141 = arith.constant 200 : i32
      %swap3A_142 = arith.index_cast %add3A_111 : i32 to index
      %swap3A_143 = arith.constant 0 : index
      %swap3A_144 = tpu.vector_load %arg7[%swap3A_142, %swap3A_143] {strides = array<i32>} : memref<128x64xf32, #tpu.memory_space<vmem>>, vector<1x16xf32>,
      %swap3A_145 = vector.shape_cast %swap3A_144 : vector<1x16xf32> to vector<16xf32>
      %swap3A_146 = vector.shape_cast %scan3A_140#0 : vector<16xf32> to vector<1x16xf32>
      tpu.vector_store %arg7[%swap3A_142, %swap3A_143], %swap3A_146 {strides = array<i32>} : memref<128x64xf32, #tpu.memory_space<vmem>>, vector<1x16xf32>,
      %swap3A_147 = arith.index_cast %add3A_111 : i32 to index
      %swap3A_148 = arith.constant 16 : index
      %swap3A_149 = tpu.vector_load %arg7[%swap3A_147, %swap3A_148] {strides = array<i32>} : memref<128x64xf32, #tpu.memory_space<vmem>>, vector<1x16xf32>,
      %swap3A_150 = vector.shape_cast %swap3A_149 : vector<1x16xf32> to vector<16xf32>
      %swap3A_151 = vector.shape_cast %scan3A_140#1 : vector<16xf32> to vector<1x16xf32>
      tpu.vector_store %arg7[%swap3A_147, %swap3A_148], %swap3A_151 {strides = array<i32>} : memref<128x64xf32, #tpu.memory_space<vmem>>, vector<1x16xf32>,
      %swap3A_152 = arith.index_cast %add3A_111 : i32 to index
      %swap3A_153 = arith.constant 32 : index
      %swap3A_154 = tpu.vector_load %arg7[%swap3A_152, %swap3A_153] {strides = array<i32>} : memref<128x64xf32, #tpu.memory_space<vmem>>, vector<1x16xf32>,
      %swap3A_155 = vector.shape_cast %swap3A_154 : vector<1x16xf32> to vector<16xf32>
      %swap3A_156 = vector.shape_cast %scan3A_140#2 : vector<16xf32> to vector<1x16xf32>
      tpu.vector_store %arg7[%swap3A_152, %swap3A_153], %swap3A_156 {strides = array<i32>} : memref<128x64xf32, #tpu.memory_space<vmem>>, vector<1x16xf32>,
      %swap3A_157 = arith.index_cast %add3A_111 : i32 to index
      %swap3A_158 = arith.constant 48 : index
      %swap3A_159 = tpu.vector_load %arg7[%swap3A_157, %swap3A_158] {strides = array<i32>} : memref<128x64xf32, #tpu.memory_space<vmem>>, vector<1x16xf32>,
      %swap3A_160 = vector.shape_cast %swap3A_159 : vector<1x16xf32> to vector<16xf32>
      %swap3A_161 = vector.shape_cast %scan3A_140#3 : vector<16xf32> to vector<1x16xf32>
      tpu.vector_store %arg7[%swap3A_157, %swap3A_158], %swap3A_161 {strides = array<i32>} : memref<128x64xf32, #tpu.memory_space<vmem>>, vector<1x16xf32>,
    }
    %scan3A_58 = arith.constant 64 : i32
    "tpu.region"() ({
      %run_scoped3A = tpu.sem_alloc : memref<!tpu.dma_semaphore, #tpu.memory_space<semaphore_mem>>
      %dma_start3A_59 = arith.constant 0 : i32
      %dma_start3A_60 = tpu.memref_slice %arg4[%mul3A_2, %dma_start3A_59] : memref<4096x64xf32, #tpu.memory_space<hbm>> -> memref<128x64xf32, #tpu.memory_space<hbm>>
      %dma_start3A_61 = arith.constant 0 : i32
      %dma_start3A_62 = tpu.memref_slice %arg4[%mul3A_2, %dma_start3A_61] : memref<4096x64xf32, #tpu.memory_space<hbm>> -> memref<128x64xf32, #tpu.memory_space<hbm>>
      tpu.enqueue_dma source(%arg7 : memref<128x64xf32, #tpu.memory_space<vmem>>) target(%dma_start3A_62 : memref<128x64xf32, #tpu.memory_space<hbm>>) target_semaphore(%run_scoped3A : memref<!tpu.dma_semaphore, #tpu.memory_space<semaphore_mem>>)
      %dma_wait3A = arith.constant 0 : i32
      %dma_wait3A_63 = tpu.memref_slice %arg4[%mul3A_2, %dma_wait3A] : memref<4096x64xf32, #tpu.memory_space<hbm>> -> memref<128x64xf32, #tpu.memory_space<hbm>>
      %dma_wait3A_64 = arith.constant 0 : i32
      %dma_wait3A_65 = tpu.memref_slice %arg4[%mul3A_2, %dma_wait3A_64] : memref<4096x64xf32, #tpu.memory_space<hbm>> -> memref<128x64xf32, #tpu.memory_space<hbm>>
      tpu.wait_dma2 semaphore(%run_scoped3A : memref<!tpu.dma_semaphore, #tpu.memory_space<semaphore_mem>>) src(%arg7 : memref<128x64xf32, #tpu.memory_space<vmem>>) dst(%dma_wait3A_65 : memref<128x64xf32, #tpu.memory_space<hbm>>)
      tpu.yield
    }) : () -> ()
    return
  }
}

module attributes {stable_mosaic.version = 14 : i64} {
  func.func @_mlp_body(%arg0: i32, %arg1: memref<1024x64xf32, #tpu.memory_space<vmem>>, %arg2: memref<64x256xf32, #tpu.memory_space<vmem>>, %arg3: memref<1x256xf32, #tpu.memory_space<vmem>>, %arg4: memref<256x128xf32, #tpu.memory_space<vmem>>, %arg5: memref<1x128xf32, #tpu.memory_space<vmem>>, %arg6: memref<1024x128xf32, #tpu.memory_space<vmem>>) attributes {dimension_semantics = [#tpu.dimension_semantics<arbitrary>], iteration_bounds = array<i64: 4>, scalar_prefetch = 0 : i64, scratch_operands = 0 : i64, tpu.core_type = #tpu.core_type<tc>, window_params = [{transform_indices = @transform_0, window_bounds = array<i64: 1024, 64>}, {pipeline_mode = #tpu.pipeline_mode<synchronous>, transform_indices = @transform_1, window_bounds = array<i64: 64, 256>}, {pipeline_mode = #tpu.pipeline_mode<synchronous>, transform_indices = @transform_2, window_bounds = array<i64: 1, 256>}, {pipeline_mode = #tpu.pipeline_mode<synchronous>, transform_indices = @transform_3, window_bounds = array<i64: 256, 128>}, {pipeline_mode = #tpu.pipeline_mode<synchronous>, transform_indices = @transform_4, window_bounds = array<i64: 1, 128>}, {transform_indices = @transform_5, window_bounds = array<i64: 1024, 128>}]} {
    %get3A = arith.constant 0 : index
    %get3A_0 = arith.constant 0 : index
    %get3A_1 = vector.load %arg1[%get3A, %get3A_0] : memref<1024x64xf32, #tpu.memory_space<vmem>>, vector<1024x64xf32>
    %mul3A = arith.constant 5.000000e-03 : f32
    %mul3A_2 = vector.broadcast %mul3A : f32 to vector<1024x64xf32>
    %mul3A_3 = arith.mulf %get3A_1, %mul3A_2 : vector<1024x64xf32>
    %get3A_4 = arith.constant 0 : index
    %get3A_5 = arith.constant 0 : index
    %get3A_6 = vector.load %arg2[%get3A_4, %get3A_5] : memref<64x256xf32, #tpu.memory_space<vmem>>, vector<64x256xf32>
    %dot_general3A = arith.constant dense<0.000000e+00> : vector<1024x256xf32>
    %dot_general3A_7 = tpu.matmul %mul3A_3, %get3A_6, %dot_general3A {dimension_numbers = #tpu.dot_dimension_numbers<[1], [0], [0], [1], [0, 0, 1, 1], [], []>, precision = #tpu.contract_precision<fp32>, transpose_lhs_hint = false} : vector<1024x64xf32>, vector<64x256xf32>, vector<1024x256xf32> -> vector<1024x256xf32>
    %get3A_8 = arith.constant 0 : index
    %get3A_9 = arith.constant 0 : index
    %get3A_10 = vector.load %arg3[%get3A_8, %get3A_9] : memref<1x256xf32, #tpu.memory_space<vmem>>, vector<1x256xf32>
    %add3A = vector.broadcast %get3A_10 : vector<1x256xf32> to vector<1024x256xf32>
    %add3A_11 = arith.addf %dot_general3A_7, %add3A : vector<1024x256xf32>
    %max3A = arith.constant 0.000000e+00 : f32
    %max3A_12 = vector.broadcast %max3A : f32 to vector<1024x256xf32>
    %max3A_13 = arith.maximumf %add3A_11, %max3A_12 : vector<1024x256xf32>
    %get3A_14 = arith.constant 0 : index
    %get3A_15 = arith.constant 0 : index
    %get3A_16 = vector.load %arg4[%get3A_14, %get3A_15] : memref<256x128xf32, #tpu.memory_space<vmem>>, vector<256x128xf32>
    %dot_general3A_17 = arith.constant dense<0.000000e+00> : vector<1024x128xf32>
    %dot_general3A_18 = tpu.matmul %max3A_13, %get3A_16, %dot_general3A_17 {dimension_numbers = #tpu.dot_dimension_numbers<[1], [0], [0], [1], [0, 0, 1, 1], [], []>, precision = #tpu.contract_precision<fp32>, transpose_lhs_hint = false} : vector<1024x256xf32>, vector<256x128xf32>, vector<1024x128xf32> -> vector<1024x128xf32>
    %get3A_19 = arith.constant 0 : index
    %get3A_20 = arith.constant 0 : index
    %get3A_21 = vector.load %arg5[%get3A_19, %get3A_20] : memref<1x128xf32, #tpu.memory_space<vmem>>, vector<1x128xf32>
    %add3A_22 = vector.broadcast %get3A_21 : vector<1x128xf32> to vector<1024x128xf32>
    %add3A_23 = arith.addf %dot_general3A_18, %add3A_22 : vector<1024x128xf32>
    %reduce_max3A = arith.constant dense<0xFF800000> : vector<1024xf32>
    %reduce_max3A_24 = vector.multi_reduction <maximumf>, %add3A_23, %reduce_max3A [1] : vector<1024x128xf32> to vector<1024xf32>
    %broadcast_in_dim3A = vector.shape_cast %reduce_max3A_24 : vector<1024xf32> to vector<1024x1xf32>
    %sub3A = vector.broadcast %broadcast_in_dim3A : vector<1024x1xf32> to vector<1024x128xf32>
    %sub3A_25 = arith.subf %add3A_23, %sub3A : vector<1024x128xf32>
    %exp3A = math.exp %sub3A_25 : vector<1024x128xf32>
    %reduce_sum3A = arith.constant dense<0.000000e+00> : vector<1024xf32>
    %reduce_sum3A_26 = vector.multi_reduction <add>, %exp3A, %reduce_sum3A [1] : vector<1024x128xf32> to vector<1024xf32>
    %broadcast_in_dim3A_27 = vector.shape_cast %reduce_sum3A_26 : vector<1024xf32> to vector<1024x1xf32>
    %log3A = math.log %broadcast_in_dim3A_27 : vector<1024x1xf32>
    %sub3A_28 = vector.broadcast %log3A : vector<1024x1xf32> to vector<1024x128xf32>
    %sub3A_29 = arith.subf %sub3A_25, %sub3A_28 : vector<1024x128xf32>
    %swap3A = arith.constant 0 : index
    %swap3A_30 = arith.constant 0 : index
    %swap3A_31 = vector.load %arg6[%swap3A, %swap3A_30] : memref<1024x128xf32, #tpu.memory_space<vmem>>, vector<1024x128xf32>
    tpu.vector_store %arg6[%swap3A, %swap3A_30], %sub3A_29 {strides = array<i32>} : memref<1024x128xf32, #tpu.memory_space<vmem>>, vector<1024x128xf32>,
    return
  }
  func.func @transform_0(%arg0: i32) -> (i32, i32) {
    %c0_i32 = arith.constant 0 : i32
    %c0_i32_0 = arith.constant 0 : i32
    return %arg0, %c0_i32 : i32, i32
  }
  func.func @transform_1(%arg0: i32) -> (i32, i32) {
    %c0_i32 = arith.constant 0 : i32
    %c0_i32_0 = arith.constant 0 : i32
    %c0_i32_1 = arith.constant 0 : i32
    return %c0_i32, %c0_i32_0 : i32, i32
  }
  func.func @transform_2(%arg0: i32) -> (i32, i32) {
    %c0_i32 = arith.constant 0 : i32
    %c0_i32_0 = arith.constant 0 : i32
    %c0_i32_1 = arith.constant 0 : i32
    return %c0_i32, %c0_i32_0 : i32, i32
  }
  func.func @transform_3(%arg0: i32) -> (i32, i32) {
    %c0_i32 = arith.constant 0 : i32
    %c0_i32_0 = arith.constant 0 : i32
    %c0_i32_1 = arith.constant 0 : i32
    return %c0_i32, %c0_i32_0 : i32, i32
  }
  func.func @transform_4(%arg0: i32) -> (i32, i32) {
    %c0_i32 = arith.constant 0 : i32
    %c0_i32_0 = arith.constant 0 : i32
    %c0_i32_1 = arith.constant 0 : i32
    return %c0_i32, %c0_i32_0 : i32, i32
  }
  func.func @transform_5(%arg0: i32) -> (i32, i32) {
    %c0_i32 = arith.constant 0 : i32
    %c0_i32_0 = arith.constant 0 : i32
    return %arg0, %c0_i32 : i32, i32
  }
}

</mosaic_0001>

<sc_bundles>
// kernel: kernel.4.cloned.1.call-start
scs
__scs_entry_jumppad:
0x0: {  	(pc) =	sbr.rel $0x88, $3  }
0x1: {  	(tag) =	ssettag $0x0;
	lr =	simm.s32 $0x1  }
0x2: {  	[smem:$0x3F9B] =	sst lr;
	_ =	strace $0xD0000000  }
0x3: {  	_ = 	snop  }
0x4: {  	_ = 	snop  }
0x5: {  	_ = 	snop  }
0x6: {  	_ = 	snop  }
0x7: {  	_ = 	snop  }
__scs_overlays_trampoline_lowered:
0x8: {  	[smem:$0x3FAA] =	sst s0  }
0x9: {  	[smem:$0x3FAB] =	sst s1  }
0xa: {  	[smem:$0x3FAC] =	sst s2  }
0xb: {  	[smem:$0x3FAD] =	sst s3  }
0xc: {  	[smem:$0x3FAE] =	sst s4  }
0xd: {  	[smem:$0x3FAF] =	sst s5  }
0xe: {  	[smem:$0x3FB0] =	sst s6  }
0xf: {  	[smem:$0x3FB1] =	sst s7  }
0x10: {  	[smem:$0x3FB2] =	sst s8  }
0x11: {  	[smem:$0x3FB3] =	sst s9;
	s0 =	simm.s32 @!p0 $0x0  }
0x12: {  	s1 =	sld [smem:$0x3F99];
	s0 =	simm.s32 @p0 $0x1  }
0x13: {  	[smem:$0x3FB4] =	sst s0;
	s0 =	simm.s32 @!p1 $0x0  }
0x14: {  	s2 =	sld [smem:$0x3F98];
	s0 =	simm.s32 @p1 $0x1  }
0x15: {  	[smem:$0x3FB5] =	sst s0;
	s0 =	simm.s32 @!p2 $0x0  }
0x16: {  	s3 =	sld [smem:$0x3FDB];
	s0 =	simm.s32 @p2 $0x1  }
0x17: {  	s4 =	simm.s32 $0x1BF5;
	[smem:$0x3FB7] =	sst s0  }
0x18: {  	s0 =	sld [smem:$0x3F9A];
	_ =	swait.ge [sflag:s4], $0x0  }
0x19: {  	s7 =	sld [smem:$0x3F9B]  }
0x1a: {  	s8 =	sadd.s32 $0xFFFFE003, lr  }
0x1b: {  	s9 =	sadd.s32 $0xFFFFFEF7, lr;
	s5 =	simm.s32 $0xFFFFFFFF;
	p2 =	slt.u32 s8, $0xFFFFF086  }
0x1c: {  	p1 =	slt.u32 s9, $0xF7A;
	s5 =	simm.s32 @!p2 $0x0  }
0x1d: {  	s5 =	simm.s32 @p1 $0x1;
	p0 =	seq.s32 s7, s2  }
0x1e: {  	s7 =	smul.u32 @!p0 $0xF7A, s2;
	p2 =	seq.s32 @!p0 s5, $0x0  }
0x1f: {  	s9 =	smul.u32 $0xF7A, s1;
	s8 =	simm.s32 @!p0 $0x1BF5;
	p2 =	por !p2, p0  }
0x20: {  	[sflag:s8] =	ssyncset.s32 @!p0 $0xFFFFF086;
	s6 =	sadd.s32 @!p0 s3, s7;
	s7 =	simm.s32 @!p0 $0x108  }
0x21: {  	s3 =	sadd.s32 s3, s9;
	s6 =	sadd.s32 @!p0 $0x88, s6;
	s7 =	simm.s32 @p2 $0x1082  }
0x22: {  	[simem:s7], [sflag:s8] =	dma.local @!p0 [hbm:s6], $0xF7A  }
0x23: {  	s9 =	sor.u32 $0xD0000000, s2;
	s6 =	simm.s32 $0x108;
	_ =	swait.ge @!p0 [sflag:s8], $0x0  }
0x24: {  	s3 =	sadd.s32 $0x88, s3;
	s6 =	simm.s32 @!p1 $0x1082;
	[sflag:s4] =	ssyncset.s32 $0xFFFFF086  }
0x25: {  	[simem:s6], [sflag:s4] =	dma.local [hbm:s3], $0xF7A  }
0x26: {  	[smem:$0x3F9B] =	sst s1;
	(tag) =	ssettag s2;
	_ =	strace s9  }
0x27: {  	s1 =	sld [smem:$0x3FAB]  }
0x28: {  	s2 =	sld [smem:$0x3FAC]  }
0x29: {  	s4 =	sld [smem:$0x3FAE]  }
0x2a: {  	p0 =	seq.s32 s5, $0x0;
	s5 =	sld [smem:$0x3FAF]  }
0x2b: {  	s6 =	sld [smem:$0x3FB0]  }
0x2c: {  	s7 =	sld [smem:$0x3FB1]  }
0x2d: {  	s3 =	simm.s32 $0x108;
	s8 =	sld [smem:$0x3FB2]  }
0x2e: {  	s3 =	simm.s32 @!p0 $0x1082;
	s9 =	sld [smem:$0x3FB3]  }
0x2f: {  	lr =	sadd.s32 s0, s3;
	s0 =	sld [smem:$0x3FAA]  }
0x30: {  	s3 =	sld [smem:$0x3FAD]  }
0x31: {  	[smem:$0x3FB6] =	sst s10  }
0x32: {  	s10 =	sld [smem:$0x3FB4];
	_ =	sdelay $0x3  }
0x33: {  	p0 =	seq.s32 s10, $0x1;
	s10 =	sld [smem:$0x3FB6];
	_ =	sdelay $0x3  }
0x34: {  	[smem:$0x3FB6] =	sst s10  }
0x35: {  	s10 =	sld [smem:$0x3FB5];
	_ =	sdelay $0x3  }
0x36: {  	p1 =	seq.s32 s10, $0x1;
	s10 =	sld [smem:$0x3FB6];
	_ =	sdelay $0x3  }
0x37: {  	[smem:$0x3FB6] =	sst s10  }
0x38: {  	s10 =	sld [smem:$0x3FB7]  }
0x39: {  	_ = 	snop;
	(pc) =	sbr.ind lr, $3  }
0x3a: {  	_ = 	snop  }
0x3b: {  	_ = 	snop  }
0x3c: {  	p2 =	seq.s32 s10, $0x1;
	s10 =	sld [smem:$0x3FB6]  }
0x3d: {  	_ =	shalt  }
0x3e: {  	_ =	shalt  }
0x3f: {  	_ =	shalt  }
0x40: {  	_ =	shalt  }
0x41: {  	_ =	shalt  }
0x42: {  	_ =	shalt  }
0x43: {  	_ =	shalt  }
0x44: {  	_ =	shalt  }
0x45: {  	_ =	shalt  }
0x46: {  	_ =	shalt  }
0x47: {  	_ =	shalt  }
0x48: {  	_ =	shalt  }
0x49: {  	_ =	shalt  }
0x4a: {  	_ =	shalt  }
0x4b: {  	_ =	shalt  }
0x4c: {  	_ =	shalt  }
0x4d: {  	_ =	shalt  }
0x4e: {  	_ =	shalt  }
0x4f: {  	_ =	shalt  }
0x50: {  	_ =	shalt  }
0x51: {  	_ =	shalt  }
0x52: {  	_ =	shalt  }
0x53: {  	_ =	shalt  }
0x54: {  	_ =	shalt  }
0x55: {  	_ =	shalt  }
0x56: {  	_ =	shalt  }
0x57: {  	_ =	shalt  }
0x58: {  	_ =	shalt  }
0x59: {  	_ =	shalt  }
0x5a: {  	_ =	shalt  }
0x5b: {  	_ =	shalt  }
0x5c: {  	_ =	shalt  }
0x5d: {  	_ =	shalt  }
0x5e: {  	_ =	shalt  }
0x5f: {  	_ =	shalt  }
0x60: {  	_ =	shalt  }
0x61: {  	_ =	shalt  }
0x62: {  	_ =	shalt  }
0x63: {  	_ =	shalt  }
0x64: {  	_ =	shalt  }
0x65: {  	_ =	shalt  }
0x66: {  	_ =	shalt  }
0x67: {  	_ =	shalt  }
0x68: {  	_ =	shalt  }
0x69: {  	_ =	shalt  }
0x6a: {  	_ =	shalt  }
0x6b: {  	_ =	shalt  }
0x6c: {  	_ =	shalt  }
0x6d: {  	_ =	shalt  }
0x6e: {  	_ =	shalt  }
0x6f: {  	_ =	shalt  }
0x70: {  	_ =	shalt  }
0x71: {  	_ =	shalt  }
0x72: {  	_ =	shalt  }
0x73: {  	_ =	shalt  }
0x74: {  	_ =	shalt  }
0x75: {  	_ =	shalt  }
0x76: {  	_ =	shalt  }
0x77: {  	_ =	shalt  }
0x78: {  	_ =	shalt  }
0x79: {  	_ =	shalt  }
0x7a: {  	_ =	shalt  }
0x7b: {  	_ =	shalt  }
0x7c: {  	_ =	shalt  }
0x7d: {  	_ =	shalt  }
0x7e: {  	_ =	shalt  }
0x7f: {  	_ =	shalt  }
0x80: {  	_ =	shalt  }
0x81: {  	_ =	shalt  }
0x82: {  	_ =	shalt  }
0x83: {  	_ =	shalt  }
0x84: {  	_ =	shalt  }
0x85: {  	_ =	shalt  }
0x86: {  	_ =	shalt  }
0x87: {  	_ =	shalt  }
.Lfunc_end0:
.L_simem_size_0:
called_computation_lowered:
.L_overlay_start_0:
0x88: {  	s2 =	sld [smem:$0x3FD9]  }
0x89: {  	s3 =	sld [smem:$0x3FFE];
	_ =	sdelay $0x1  }
0x8a: {  	s1 =	srdreg.scid  }
0x8b: {  	s0 =	sand.u32 $0x1, s1  }
0x8c: {  	s16 =	sshll.u32 s0, $0xA;
	s2 =	sadd.s32 s3, s2  }
0x8d: {  	s2 =	sadd.s32 s2, s16  }
0x8e: {  	[smem:$0x3FC2] =	sst s2  }
0x8f: {  	_ = 	snop  }
0x90: {  	(tm) =	ssettm $0x1  }
0x91: {  	s17 =	sld [smem:$0x3FFB];
	_ =	sdelay $0x3  }
0x92: {  	_ =	strace s17  }
0x93: {  	s2 =	sld [smem:$0x3FFC];
	_ =	sdelay $0x3  }
0x94: {  	_ =	strace s2  }
0x95: {  	s2 =	sld [smem:$0x3FFD];
	_ =	sdelay $0x3  }
0x96: {  	_ =	strace s2  }
0x97: {  	_ =	strace $0x8FFFFFFF  }
0x98: {  	s18 =	sld [smem:$0x3FDB];
	_ =	sdelay $0x1  }
0x99: {  	s19 =	simm.s32 $_scs_section_size  }
0x9a: {  	s4 =	simm.s32 $_size__tile_overlayer_lowered;
	s5 =	simm.s32 $_tile_overlayer_lowered  }
0x9b: {  	s22 =	simm.s32 $0x1BFF;
	s21 =	sshll.u32 s5, $0x1;
	s2 =	sadd.s32 s19, s18  }
0x9c: {  	s6 =	simm.s32 $0x0;
	s20 =	sshll.u32 s4, $0x1;
	s4 =	sadd.s32 s21, s2  }
0x9d: {  	[timem:s6], [sflag:s22] =	dma.local [hbm:s4], s20  }
0x9e: {  	_ =	swait.ge [sflag:s22], s20  }
0x9f: {  	s3 =	ssub.s32 $0x0, s20;
	[sflag:s22] =	ssyncset.done $0x0  }
0xa0: {  	[sflag:s22] =	ssyncadd.s32 s3;
	_ =	sdelay $0x1  }
0xa1: {  	s23 =	simm.s32 $0x1B8B  }
0xa2: {  	_ =	swait.ge [sflag:s23], $0x1  }
0xa3: {  	[sflag:s23] =	ssyncset.done $0x0  }
0xa4: {  	s25 =	simm.s32 $0x1B8E;
	s24 =	sld [smem:$0x3FFE];
	[sflag:s23] =	ssyncadd.s32 $0xFFFFFFFF  }
0xa5: {  	s26 =	simm.s32 $execute0_lowered;
	[smem:$0x3FD2] =	sst s25  }
0xa6: {  	s4 =	sshll.u32 s26, $0x1;
	_ =	strace $0x80000046;
	[dreg:$0x1] =	wrdreg $0xFFFFFFFF  }
0xa7: {  	s28 =	simm.s32 $_size_execute0_lowered;
	s2 =	sadd.s32 s2, s4;
	[dreg:$0x0] =	wrdreg $0x0  }
0xa8: {  	s4 =	sshll.u32 s28, $0x1;
	[dreg:$0x2] =	wrdreg s2  }
0xa9: {  	[dreg:$0x3] =	wrdreg s4  }
0xaa: {  	[dreg:$0x4] =	wrdreg $0xC0  }
0xab: {  	_ =	task [dreg:s6], $0x5FFFF  }
0xac: {  	[dreg:$0x1] =	wrdreg $0xFFFFFFFF  }
0xad: {  	[dreg:$0x0] =	wrdreg $0x60  }
0xae: {  	[dreg:$0x2] =	wrdreg s24  }
0xaf: {  	[dreg:$0x3] =	wrdreg $0x9  }
0xb0: {  	_ =	task.clear_ibuf [dreg:s6], $0x4FFFF;
	_ =	strace $0x90000046  }
0xb1: {  	s29 =	simm.s32 $0x9;
	_ =	strace $0x80000048  }
0xb2: {  	_ =	swait.ge [sflag:s29], $0x1  }
0xb3: {  	[sflag:s29] =	ssyncadd.s32 $0xFFFFFFFF  }
0xb4: {  	_ =	strace $0x90000048  }
0xb5: {  	_ =	sfence  }
0xb6: {  	s30 =	sld [smem:$0x0];
	_ =	sdelay $0x2  }
0xb7: {  	s31 =	sshll.u32 s1, $0xD;
	s1 =	sshrl.u32 s1, $0x2  }
0xb8: {  	s3 =	sand.u32 $0x4000, s31;
	s1 =	sadd.s32 s1, s30  }
0xb9: {  	s0 =	sor.u32 s3, s0;
	s1 =	sshll.u32 s1, $0x11  }
0xba: {  	s0 =	sor.u32 s1, s0  }
0xbb: {  	s0 =	sadd.s32 $0x8F2B, s0  }
0xbc: {  	[sflag:s0] =	ssyncadd.remote.s32 $0x1  }
0xbd: {  	_ =	sfence.sel $0xFFFF  }
0xbe: {  	[dreg:$0x0] =	wrdreg $0xFFFFFFFF;
	(pc) =	sbr.abs _section_cstart, $3  }
0xbf: {  	[dreg:$0x1] =	wrdreg $0xFFFFFFFF  }
0xc0: {  	_ =	task.clear_ibuf [dreg:s6], $0x2FFFF;
	_ =	strace $0x9FFFFFFF  }
0xc1: {  	(tm) =	ssettm $0x7FFFFFFF  }
tec
execute0_lowered:
.L_overlay_start_1:
0x0: {  	(tag) =	ssettag $0x1  }
0x1: {  	s1 =	srdreg.scid  }
0x2: {  	s0 =	stileid.u32;
	s4 =	rddreg [dreg:$0x0];
	s2 =	simm.s32 $0x0  }
0x3: {  	s9 =	simm.s32 $0x6800;
	s10 =	simm.s32 $0x8200;
	s11 =	simm.s32 $0xD0  }
0x4: {  	s12 =	simm.s32 $0x9C00;
	s13 =	simm.s32 $0x138;
	s14 =	simm.s32 $0xB600  }
0x5: {  	s15 =	simm.s32 $0x1;
	s16 =	simm.s32 $0x2;
	s17 =	simm.s32 $0xD000  }
0x6: {  	s18 =	simm.s32 $0x0;
	s3 =	sand.u32 $0x1, s1;
	s1 =	rddreg [dreg:$0x1]  }
0x7: {  	s5 =	sshll.u32 s0, $0x8;
	[smem:$0x7FF] =	sst s2;
	s6 =	sshll.u32 s3, $0x7  }
0x8: {  	_ =	strace $0x80000047;
	s7 =	ssub.s32 $0x2, s3;
	s5 =	sor.u32 s6, s5  }
0x9: {  	s8 =	sshrl.u32 s7, $0x1;
	s6 =	smul.u32 $0x1A, s5;
	s5 =	sshll.u32 s5, $0x3  }
0xa: {  	s3 =	sadd.s32 $0xF43200, s4;
	s7 =	ssub.s32 s7, s8;
	s5 =	sadd.s32 s5, s4  }
0xb: {  	s8 =	simm.s32 $0x68;
	s6 =	sadd.s32 s6, s4;
	s5 =	sadd.s32 $0x1AE00, s5  }
0xc: {  	s4 =	sadd.s32 $0xE00, s6;
	s6 =	smax.u32 s7, $0x1;
	s7 =	simm.s32 $0x3  }
.LBB2_1:
0xd: {  	[tilespmem:s2], [sflag:$0x3] =	stream.linear.gather [hbm4b:s4+s2], $0x6800, $0x38;
	[tilespmem:$0xF000] =	vst v63  }
0xe: {  	_ =	swait.ge [sflag:s7], $0x6800  }
0xf: {  	[sflag:s7] =	ssyncset.done $0x0  }
0x10: {  	[sflag:s7] =	ssyncadd.s32 $0xFFFF9800  }
0x11: {  	[tilespmem:s9], [sflag:$0x1] =	stream.indirect.gather [hbm4b:s3+s8], $0x40, s2, s8, $0xb8;
	[tilespmem:$0xF000] =	vst v63  }
0x12: {  	_ = 	snop  }
0x13: {  	[tilespmem:s10], [sflag:$0x1] =	stream.indirect.gather [hbm4b:s3+s8], $0x40, s8, s8, $0xb8;
	[tilespmem:$0xF000] =	vst v63  }
0x14: {  	_ = 	snop  }
0x15: {  	[tilespmem:s12], [sflag:$0x2] =	stream.indirect.gather [hbm4b:s3+s8], $0x40, s11, s8, $0xb8;
	[tilespmem:$0xF000] =	vst v63  }
0x16: {  	s19 =	simm.s32 $0x0  }
0x17: {  	[tilespmem:s14], [sflag:$0x2] =	stream.indirect.gather [hbm4b:s3+s8], $0x40, s13, s8, $0xb8;
	[tilespmem:$0xF000] =	vst v63  }
.LBB2_2:
0x18: {  	p0 =	seq.s32 s19, $0x3F  }
0x19: {  	s20 =	smul.u32 @!p0 $0x680, s19  }
0x1a: {  	_ =	swait.ge [sflag:s15], $0x3400  }
0x1b: {  	[sflag:s15] =	ssyncset.done $0x0;
	s22 =	simm.s32 @!p0 $0x68;
	s21 =	sshra.s32 @!p0 s20, $0x2  }
0x1c: {  	s23 =	simm.s32 @!p0 $0x6800;
	[sflag:s15] =	ssyncadd.s32 $0xFFFFCC00;
	s20 =	sadd.s32 @!p0 $0x1A0, s21  }
0x1d: {  	[tilespmem:s23], [sflag:$0x1] =	stream.indirect.gather @!p0 [hbm4b:s3+s22], $0x40, s20, s22, $0xb8;
	[tilespmem:$0xF000] =	vst v63  }
0x1e: {  	s31 =	simm.s32 $0x6900;
	s20 =	sadd.s32 @!p0 $0x208, s21;
	s23 =	simm.s32 @!p0 $0x8200  }
0x1f: {  	[tilespmem:s23], [sflag:$0x1] =	stream.indirect.gather @!p0 [hbm4b:s3+s22], $0x40, s20, s22, $0xb8;
	[tilespmem:$0xF000] =	vst v63  }
0x20: {  	v0 =	vld [tilespmem:s31+$0xC0]  }
0x21: {  	v1 =	vld [tilespmem:s31+$0xD0]  }
0x22: {  	v2 =	vld [tilespmem:s31+$0x80]  }
0x23: {  	v3 =	vld [tilespmem:s31+$0x90]  }
0x24: {  	v9 =	vld [tilespmem:s31+$0x40]  }
0x25: {  	v12 =	vld [tilespmem:s31+$0x50]  }
0x26: {  	v6 =	vld [tilespmem:s31+$0x0]  }
0x27: {  	v8 =	vld [tilespmem:s31+$0x10]  }
0x28: {  	v5 =	vld [tilespmem:s31+$0xFFFFFFC0]  }
0x29: {  	v7 =	vld [tilespmem:s31+$0xFFFFFFD0]  }
0x2a: {  	v4 =	vld [tilespmem:s31+$0xFFFFFF80]  }
0x2b: {  	v10 =	vld [tilespmem:s31+$0xFFFFFF90]  }
0x2c: {  	v11 =	vld [tilespmem:s31+$0xFFFFFF40]  }
0x2d: {  	v13 =	vld [tilespmem:s31+$0xFFFFFF50]  }
0x2e: {  	v14 =	vld [tilespmem:s31+$0xFFFFFF00]  }
0x2f: {  	v15 =	vld [tilespmem:s31+$0xFFFFFF10]  }
0x30: {  	v16 =	vld [tilespmem:s31+$0xFFFFFF20]  }
0x31: {  	v17 =	vld [tilespmem:s31+$0xFFFFFF30]  }
0x32: {  	v18 =	vld [tilespmem:s31+$0xFFFFFF60]  }
0x33: {  	v19 =	vld [tilespmem:s31+$0xFFFFFF70]  }
0x34: {  	v20 =	vimm.f32 $0.0e+00;
	v21 =	vld [tilespmem:s31+$0xFFFFFFA0]  }
0x35: {  	v22 =	vld [tilespmem:s31+$0xFFFFFFB0];
	v14 =	vadd.f32 v14, v20;
	v15 =	vadd.f32 v15, v20  }
0x36: {  	v59 =	vld [tilespmem:s31+$0xFFFFFFE0];
	v16 =	vadd.f32 v16, v20;
	v17 =	vadd.f32 v17, v20  }
0x37: {  	v11 =	vadd.f32 v11, v14;
	v13 =	vadd.f32 v13, v15;
	v14 =	vld [tilespmem:s31+$0xFFFFFFF0]  }
0x38: {  	v61 =	vld [tilespmem:s31+$0x20];
	v15 =	vadd.f32 v18, v16;
	v60 =	vadd.f32 v19, v17  }
0x39: {  	v11 =	vadd.f32 v4, v11;
	v10 =	vadd.f32 v10, v13;
	v13 =	vld [tilespmem:s31+$0x30]  }
0x3a: {  	v15 =	vadd.f32 v21, v15;
	v16 =	vadd.f32 v22, v60;
	v4 =	vld [tilespmem:s31+$0x60]  }
0x3b: {  	v11 =	vadd.f32 v5, v11;
	v10 =	vadd.f32 v7, v10;
	v7 =	vld [tilespmem:s31+$0x70]  }
0x3c: {  	v15 =	vadd.f32 v59, v15;
	v5 =	vld [tilespmem:s31+$0xA0];
	v14 =	vadd.f32 v14, v16  }
0x3d: {  	v62 =	vadd.f32 v6, v11;
	v63 =	vadd.f32 v8, v10;
	v8 =	vld [tilespmem:s31+$0xB0]  }
0x3e: {  	v11 =	vadd.f32 v61, v15;
	v6 =	vld [tilespmem:s31+$0xE0];
	v10 =	vadd.f32 v13, v14  }
0x3f: {  	s20 =	simm.s32 $0x0;
	s22 =	simm.s32 $0x6B00;
	v13 =	vadd.f32 v9, v62;
	v12 =	vadd.f32 v12, v63;
	v9 =	vld [tilespmem:s31+$0xF0]  }
.LBB2_3:
0x40: {  	v14 =	vld [tilespmem:s22+$0xC0];
	v4 =	vadd.f32 v4, v11;
	v7 =	vadd.f32 v7, v10  }
0x41: {  	v10 =	vld [tilespmem:s22+$0xD0];
	v11 =	vadd.f32 v2, v13;
	v12 =	vadd.f32 v3, v12  }
0x42: {  	v2 =	vld [tilespmem:s22+$0x80];
	v4 =	vadd.f32 v5, v4;
	v5 =	vadd.f32 v8, v7  }
0x43: {  	v3 =	vld [tilespmem:s22+$0x90];
	v7 =	vadd.f32 v0, v11;
	v8 =	vadd.f32 v1, v12  }
0x44: {  	v12 =	vld [tilespmem:s22+$0x40];
	v4 =	vadd.f32 v6, v4;
	v5 =	vadd.f32 v9, v5  }
0x45: {  	v9 =	vld [tilespmem:s22+$0x50];
	v0 =	vmov v14  }
0x46: {  	v6 =	vld [tilespmem:s22+$0x0];
	v1 =	vmov v10  }
0x47: {  	v10 =	vld [tilespmem:s22+$0x10]  }
0x48: {  	v11 =	vld [tilespmem:s22+$0xFFFFFFC0]  }
0x49: {  	v13 =	vld [tilespmem:s22+$0xFFFFFFD0]  }
0x4a: {  	v14 =	vld [tilespmem:s22+$0xFFFFFF80]  }
0x4b: {  	v15 =	vld [tilespmem:s22+$0xFFFFFF90]  }
0x4c: {  	v16 =	vld [tilespmem:s22+$0xFFFFFF40]  }
0x4d: {  	v17 =	vld [tilespmem:s22+$0xFFFFFF50]  }
0x4e: {  	v18 =	vld [tilespmem:s22+$0xFFFFFF00]  }
0x4f: {  	v19 =	vld [tilespmem:s22+$0xFFFFFF10]  }
0x50: {  	v20 =	vld [tilespmem:s22+$0xFFFFFF20]  }
0x51: {  	s20 =	sadd.s32 $0x8, s20;
	v21 =	vld [tilespmem:s22+$0xFFFFFF30]  }
0x52: {  	p1 =	slt.u32 s20, $0xC0;
	v22 =	vld [tilespmem:s22+$0xFFFFFF60]  }
0x53: {  	v23 =	vld [tilespmem:s22+$0xFFFFFF70]  }
0x54: {  	v24 =	vld [tilespmem:s22+$0xFFFFFFA0]  }
0x55: {  	v7 =	vadd.f32 v18, v7;
	v8 =	vadd.f32 v19, v8;
	v18 =	vld [tilespmem:s22+$0xFFFFFFB0]  }
0x56: {  	v4 =	vadd.f32 v20, v4;
	v5 =	vadd.f32 v21, v5;
	v19 =	vld [tilespmem:s22+$0xFFFFFFE0]  }
0x57: {  	v7 =	vadd.f32 v16, v7;
	v8 =	vadd.f32 v17, v8;
	v16 =	vld [tilespmem:s22+$0xFFFFFFF0]  }
0x58: {  	v4 =	vadd.f32 v22, v4;
	v5 =	vadd.f32 v23, v5;
	v17 =	vld [tilespmem:s22+$0x20]  }
0x59: {  	v7 =	vadd.f32 v14, v7;
	v8 =	vadd.f32 v15, v8;
	v14 =	vld [tilespmem:s22+$0x30]  }
0x5a: {  	v15 =	vadd.f32 v24, v4;
	v5 =	vadd.f32 v18, v5;
	v4 =	vld [tilespmem:s22+$0x60]  }
.Ltmp0:
0x5b: {  	v11 =	vadd.f32 v11, v7;
	v8 =	vadd.f32 v13, v8;
	v7 =	vld [tilespmem:s22+$0x70];
	(pc) =	sbr.rel @p1 .LBB2_3-.Ltmp0, $4  }
0x5c: {  	v13 =	vadd.f32 v19, v15;
	v15 =	vadd.f32 v16, v5;
	v5 =	vld [tilespmem:s22+$0xA0]  }
0x5d: {  	v16 =	vadd.f32 v6, v11;
	v18 =	vadd.f32 v10, v8;
	v8 =	vld [tilespmem:s22+$0xB0]  }
0x5e: {  	v11 =	vadd.f32 v17, v13;
	v10 =	vadd.f32 v14, v15;
	v6 =	vld [tilespmem:s22+$0xE0]  }
0x5f: {  	v13 =	vadd.f32 v12, v16;
	v12 =	vadd.f32 v9, v18;
	v9 =	vld [tilespmem:s22+$0xF0];
	s22 =	sadd.s32 $0x200, s22  }
0x60: {  	_ = 	snop  }
0x61: {  	v4 =	vadd.f32 v4, v11;
	v2 =	vadd.f32 v2, v13  }
0x62: {  	v7 =	vadd.f32 v7, v10;
	v3 =	vadd.f32 v3, v12  }
0x63: {  	s20 =	sshll.u32 s19, $0x7;
	v4 =	vadd.f32 v5, v4;
	v0 =	vadd.f32 v0, v2  }
0x64: {  	s20 =	sand.u32 $0x3FFFFF80, s20;
	v2 =	vadd.f32 v8, v7;
	v1 =	vadd.f32 v1, v3  }
0x65: {  	v3 =	vadd.f32 v6, v4;
	[tilespmem:s20+$0xD000] =	vst v0  }
0x66: {  	v0 =	vadd.f32 v9, v2;
	[tilespmem:s20+$0xD010] =	vst v1  }
0x67: {  	[tilespmem:s20+$0xD020] =	vst v3  }
0x68: {  	[tilespmem:s20+$0xD030] =	vst v0  }
0x69: {  	_ =	swait.ge [sflag:s16], $0x3400  }
0x6a: {  	s22 =	sadd.s32 @!p0 $0x270, s21;
	[sflag:s16] =	ssyncset.done $0x0  }
0x6b: {  	s23 =	simm.s32 @!p0 $0x68;
	s24 =	simm.s32 @!p0 $0x9C00;
	[sflag:s16] =	ssyncadd.s32 $0xFFFFCC00  }
0x6c: {  	[tilespmem:s24], [sflag:$0x2] =	stream.indirect.gather @!p0 [hbm4b:s3+s23], $0x40, s22, s23, $0xb8;
	[tilespmem:$0xF000] =	vst v63  }
0x6d: {  	s21 =	sadd.s32 @!p0 $0x2D8, s21;
	s31 =	simm.s32 $0x9DF0;
	s22 =	simm.s32 @!p0 $0xB600  }
0x6e: {  	[tilespmem:s22], [sflag:$0x2] =	stream.indirect.gather @!p0 [hbm4b:s3+s23], $0x40, s21, s23, $0xb8;
	[tilespmem:$0xF000] =	vst v63  }
0x6f: {  	v0 =	vld [tilespmem:s31+$0xFFFFFFD0]  }
0x70: {  	v1 =	vld [tilespmem:s31+$0xFFFFFFE0]  }
0x71: {  	v2 =	vld [tilespmem:s31+$0xFFFFFF90]  }
0x72: {  	v3 =	vld [tilespmem:s31+$0xFFFFFFA0]  }
0x73: {  	v9 =	vld [tilespmem:s31+$0xFFFFFF50]  }
0x74: {  	v12 =	vld [tilespmem:s31+$0xFFFFFF60]  }
0x75: {  	v7 =	vld [tilespmem:s31+$0xFFFFFF10]  }
0x76: {  	v8 =	vld [tilespmem:s31+$0xFFFFFF20]  }
0x77: {  	v5 =	vld [tilespmem:s31+$0xFFFFFED0]  }
0x78: {  	v6 =	vld [tilespmem:s31+$0xFFFFFEE0]  }
0x79: {  	v4 =	vld [tilespmem:s31+$0xFFFFFE90]  }
0x7a: {  	v10 =	vld [tilespmem:s31+$0xFFFFFEA0]  }
0x7b: {  	v11 =	vld [tilespmem:s31+$0xFFFFFE50]  }
0x7c: {  	v13 =	vld [tilespmem:s31+$0xFFFFFE60]  }
0x7d: {  	v14 =	vld [tilespmem:s31+$0xFFFFFE10]  }
0x7e: {  	v15 =	vld [tilespmem:s31+$0xFFFFFE20]  }
0x7f: {  	v16 =	vld [tilespmem:s31+$0xFFFFFE30]  }
0x80: {  	v17 =	vld [tilespmem:s31+$0xFFFFFE40]  }
0x81: {  	v18 =	vld [tilespmem:s31+$0xFFFFFE70]  }
0x82: {  	v19 =	vld [tilespmem:s31+$0xFFFFFE80]  }
0x83: {  	v20 =	vimm.f32 $0.0e+00;
	v21 =	vld [tilespmem:s31+$0xFFFFFEB0]  }
0x84: {  	v22 =	vld [tilespmem:s31+$0xFFFFFEC0];
	v14 =	vadd.f32 v14, v20;
	v15 =	vadd.f32 v15, v20  }
0x85: {  	v59 =	vld [tilespmem:s31+$0xFFFFFEF0];
	v16 =	vadd.f32 v16, v20;
	v17 =	vadd.f32 v17, v20  }
0x86: {  	v11 =	vadd.f32 v11, v14;
	v13 =	vadd.f32 v13, v15;
	v14 =	vld [tilespmem:s31+$0xFFFFFF00]  }
0x87: {  	v61 =	vld [tilespmem:s31+$0xFFFFFF30];
	v15 =	vadd.f32 v18, v16;
	v60 =	vadd.f32 v19, v17  }
0x88: {  	v11 =	vadd.f32 v4, v11;
	v10 =	vadd.f32 v10, v13;
	v13 =	vld [tilespmem:s31+$0xFFFFFF40]  }
0x89: {  	v15 =	vadd.f32 v21, v15;
	v16 =	vadd.f32 v22, v60;
	v4 =	vld [tilespmem:s31+$0xFFFFFF70]  }
0x8a: {  	v11 =	vadd.f32 v5, v11;
	v10 =	vadd.f32 v6, v10;
	v6 =	vld [tilespmem:s31+$0xFFFFFF80]  }
0x8b: {  	v15 =	vadd.f32 v59, v15;
	v5 =	vld [tilespmem:s31+$0xFFFFFFB0];
	v14 =	vadd.f32 v14, v16  }
0x8c: {  	v62 =	vadd.f32 v7, v11;
	v63 =	vadd.f32 v8, v10;
	v8 =	vld [tilespmem:s31+$0xFFFFFFC0]  }
0x8d: {  	v11 =	vadd.f32 v61, v15;
	v7 =	vld [tilespmem:s31+$0xFFFFFFF0];
	v10 =	vadd.f32 v13, v14  }
0x8e: {  	s21 =	simm.s32 $0x0;
	s22 =	simm.s32 $0x9FF0;
	v13 =	vadd.f32 v9, v62;
	v12 =	vadd.f32 v12, v63;
	v9 =	vld [tilespmem:s31+$0x0]  }
.LBB2_5:
0x8f: {  	v14 =	vld [tilespmem:s22+$0xFFFFFFD0];
	v4 =	vadd.f32 v4, v11;
	v6 =	vadd.f32 v6, v10  }
0x90: {  	v10 =	vld [tilespmem:s22+$0xFFFFFFE0];
	v11 =	vadd.f32 v2, v13;
	v12 =	vadd.f32 v3, v12  }
0x91: {  	v2 =	vld [tilespmem:s22+$0xFFFFFF90];
	v4 =	vadd.f32 v5, v4;
	v5 =	vadd.f32 v8, v6  }
0x92: {  	v3 =	vld [tilespmem:s22+$0xFFFFFFA0];
	v6 =	vadd.f32 v0, v11;
	v8 =	vadd.f32 v1, v12  }
0x93: {  	v12 =	vld [tilespmem:s22+$0xFFFFFF50];
	v4 =	vadd.f32 v7, v4;
	v5 =	vadd.f32 v9, v5  }
0x94: {  	v9 =	vld [tilespmem:s22+$0xFFFFFF60];
	v0 =	vmov v14  }
0x95: {  	v7 =	vld [tilespmem:s22+$0xFFFFFF10];
	v1 =	vmov v10  }
0x96: {  	v10 =	vld [tilespmem:s22+$0xFFFFFF20]  }
0x97: {  	v11 =	vld [tilespmem:s22+$0xFFFFFED0]  }
0x98: {  	v13 =	vld [tilespmem:s22+$0xFFFFFEE0]  }
0x99: {  	v14 =	vld [tilespmem:s22+$0xFFFFFE90]  }
0x9a: {  	v15 =	vld [tilespmem:s22+$0xFFFFFEA0]  }
0x9b: {  	v16 =	vld [tilespmem:s22+$0xFFFFFE50]  }
0x9c: {  	v17 =	vld [tilespmem:s22+$0xFFFFFE60]  }
0x9d: {  	v18 =	vld [tilespmem:s22+$0xFFFFFE10]  }
0x9e: {  	v19 =	vld [tilespmem:s22+$0xFFFFFE20]  }
0x9f: {  	v20 =	vld [tilespmem:s22+$0xFFFFFE30]  }
0xa0: {  	s21 =	sadd.s32 $0x8, s21;
	v21 =	vld [tilespmem:s22+$0xFFFFFE40]  }
0xa1: {  	p0 =	slt.u32 s21, $0xC0;
	v22 =	vld [tilespmem:s22+$0xFFFFFE70]  }
0xa2: {  	v23 =	vld [tilespmem:s22+$0xFFFFFE80]  }
0xa3: {  	v24 =	vld [tilespmem:s22+$0xFFFFFEB0]  }
0xa4: {  	v6 =	vadd.f32 v18, v6;
	v8 =	vadd.f32 v19, v8;
	v18 =	vld [tilespmem:s22+$0xFFFFFEC0]  }
0xa5: {  	v4 =	vadd.f32 v20, v4;
	v5 =	vadd.f32 v21, v5;
	v19 =	vld [tilespmem:s22+$0xFFFFFEF0]  }
0xa6: {  	v6 =	vadd.f32 v16, v6;
	v8 =	vadd.f32 v17, v8;
	v16 =	vld [tilespmem:s22+$0xFFFFFF00]  }
0xa7: {  	v4 =	vadd.f32 v22, v4;
	v5 =	vadd.f32 v23, v5;
	v17 =	vld [tilespmem:s22+$0xFFFFFF30]  }
0xa8: {  	v6 =	vadd.f32 v14, v6;
	v8 =	vadd.f32 v15, v8;
	v14 =	vld [tilespmem:s22+$0xFFFFFF40]  }
0xa9: {  	v15 =	vadd.f32 v24, v4;
	v5 =	vadd.f32 v18, v5;
	v4 =	vld [tilespmem:s22+$0xFFFFFF70]  }
.Ltmp1:
0xaa: {  	v11 =	vadd.f32 v11, v6;
	v8 =	vadd.f32 v13, v8;
	v6 =	vld [tilespmem:s22+$0xFFFFFF80];
	(pc) =	sbr.rel @p0 .LBB2_5-.Ltmp1, $4  }
0xab: {  	v13 =	vadd.f32 v19, v15;
	v15 =	vadd.f32 v16, v5;
	v5 =	vld [tilespmem:s22+$0xFFFFFFB0]  }
0xac: {  	v16 =	vadd.f32 v7, v11;
	v18 =	vadd.f32 v10, v8;
	v8 =	vld [tilespmem:s22+$0xFFFFFFC0]  }
0xad: {  	v11 =	vadd.f32 v17, v13;
	v10 =	vadd.f32 v14, v15;
	v7 =	vld [tilespmem:s22+$0xFFFFFFF0]  }
0xae: {  	v13 =	vadd.f32 v12, v16;
	v12 =	vadd.f32 v9, v18;
	v9 =	vld [tilespmem:s22+$0x0];
	s22 =	sadd.s32 $0x200, s22  }
0xaf: {  	_ = 	snop  }
0xb0: {  	v4 =	vadd.f32 v4, v11;
	v2 =	vadd.f32 v2, v13  }
0xb1: {  	v6 =	vadd.f32 v6, v10;
	s19 =	sadd.s32 $0x1, s19;
	v3 =	vadd.f32 v3, v12  }
0xb2: {  	p0 =	sne.s32 s19, $0x40;
	v4 =	vadd.f32 v5, v4;
	v0 =	vadd.f32 v0, v2  }
.Ltmp2:
0xb3: {  	v61 =	vadd.f32 v8, v6;
	v1 =	vadd.f32 v1, v3;
	(pc) =	sbr.rel @p0 .LBB2_2-.Ltmp2, $4  }
0xb4: {  	v62 =	vadd.f32 v7, v4;
	[tilespmem:s20+$0xD040] =	vst v0  }
0xb5: {  	v63 =	vadd.f32 v9, v61;
	[tilespmem:s20+$0xD050] =	vst v1  }
0xb6: {  	[tilespmem:s20+$0xD060] =	vst v62  }
0xb7: {  	[tilespmem:s20+$0xD070] =	vst v63  }
0xb8: {  	s18 =	sadd.s32 $0x1, s18  }
0xb9: {  	p0 =	sne.s32 s18, s6  }
.Ltmp3:
0xba: {  	_ = 	snop;
	(pc) =	sbr.rel @p0 .LBB2_1-.Ltmp3, $4  }
0xbb: {  	[hbm4b:s5+s2] =	stream.linear.scatter [tilespmem:s17], [sflag:$0x3], $0x2000, $0x38;
	[tilespmem:$0xF000] =	vst v63  }
0xbc: {  	_ =	swait.ge [sflag:s7], $0x2000  }
0xbd: {  	[sflag:s7] =	ssyncset.done $0x0  }
0xbe: {  	[sflag:s7] =	ssyncadd.s32 $0xFFFFE000  }
0xbf: {  	_ =	sfence.sel $0x180000  }
0xc0: {  	[bflag:$0x0] =	sbarrier.arrive $0xFFFF  }
0xc1: {  	p0 =	sne.s32 s0, $0x0;
	_ =	strace $0x90000047  }
0xc2: {  	s0 =	sadd.s32 @!p0 $0x100000, s1;
	[bflag:$0x2] =	sbarrier.arrive $0xFFFF  }
0xc3: {  	[sflag:s0] =	ssyncadd.tile.s32 @!p0 $0x1;
	_ =	shalt  }
.Lfunc_end2:
_tile_overlayer_lowered:
.L_overlay_start_2:
0xc4: {  	(tag) =	ssettag $0x2  }
0xc5: {  	s0 =	rddreg [dreg:$0x0];
	s2 =	stileid.u32  }
0xc6: {  	s1 =	rddreg [dreg:$0x1];
	p0 =	sne.s32 s2, $0x0  }
0xc7: {  	s3 =	rddreg [dreg:$0x2];
	[bflag:$0x3] =	sbarrier.arrive $0xFFFF;
	s2 =	simm.s32 @!p0 $0x1C03  }
0xc8: {  	[timem:s3], [sflag:s2] =	dma.local @!p0 [hbm:s0], s1  }
0xc9: {  	s0 =	simm.s32 @!p0 $0x3  }
0xca: {  	_ =	swait.ge @!p0 [sflag:s0], s1  }
0xcb: {  	s1 =	ssub.s32 @!p0 $0x0, s1;
	[sflag:s0] =	ssyncset.done @!p0 $0x0  }
0xcc: {  	[sflag:s0] =	ssyncadd.s32 @!p0 s1  }
0xcd: {  	[bflag:$0x3] =	sbarrier.arrive $0xFFFF  }
0xce: {  	_ =	shalt  }

</sc_bundles>
